<compile_context>
chip_gen: v7x
topology: tpu7x:2x2x1
jax: 0.10.2.dev20260603
libtpu: 0.0.44.dev20260713+nightly
codegen_flags: <defaults>
</compile_context>

<pallas_src>
import jax
import jax.numpy as jnp
from jax import lax
from jax.experimental import pallas as pl
from jax.experimental.pallas import tpu as pltpu
from jax.experimental.pallas import tpu_sc as plsc

B = 4
S = 8192
D = 1024
NC, NS, L = 2, 16, 16
NW = NC * NS
ROWS_PER_W = S // NW
CH = 16
NCHUNK = ROWS_PER_W // CH
G = NCHUNK * B
DL = D // L
NVEC = CH * DL


def _sc_body(x_hbm, pos_hbm, out_hbm,
             pos0, pos1, xb0, xb1, xb2, xb3,
             sin0, sin1, sin2, sin3,
             sout0, sout1, sout2, sout3,
             spos0, spos1):
    wid = lax.axis_index("s") * NC + lax.axis_index("c")
    base = wid * ROWS_PER_W

    pos_bufs = (pos0, pos1)
    x_bufs = (xb0, xb1, xb2, xb3)
    sin = (sin0, sin1, sin2, sin3)
    sout = (sout0, sout1, sout2, sout3)
    spos = (spos0, spos1)

    def start_pos(c, par):
        pltpu.make_async_copy(
            pos_hbm.at[pl.ds(base + c * CH, CH), :], pos_bufs[par], spos[par]
        ).start()

    def wait_pos(par):
        pltpu.make_async_copy(
            pos_hbm.at[pl.ds(0, CH), :], pos_bufs[par], spos[par]
        ).wait()

    def start_in(c, b, par):
        pltpu.make_async_copy(
            x_hbm.at[b, pl.ds(base + c * CH, CH), :], x_bufs[par], sin[par]
        ).start()

    def wait_in(par):
        pltpu.make_async_copy(
            x_hbm.at[0, pl.ds(0, CH), :], x_bufs[par], sin[par]
        ).wait()

    def start_out(c, b, par):
        pltpu.make_async_copy(
            x_bufs[par], out_hbm.at[b, pl.ds(base + c * CH, CH), :], sout[par]
        ).start()

    def wait_out(par):
        pltpu.make_async_copy(
            x_bufs[par], out_hbm.at[0, pl.ds(0, CH), :], sout[par]
        ).wait()

    def compute(xpar, ppar):
        xb = x_bufs[xpar]
        pb = pos_bufs[ppar]

        @plsc.parallel_loop(0, NVEC, 1, unroll=8)
        def add_body(k):
            i = k // DL
            j = (k % DL) * L
            plsc.addupdate(xb.at[i, pl.ds(j, L)], pb[i, pl.ds(j, L)])

    start_pos(0, 0)
    start_in(0, 0, 0)
    start_in(0, 1, 1)
    start_in(0, 2, 2)

    def window(m, _):
        for j in range(8):
            g = 8 * m + j
            c = 2 * m + j // 4
            b = j % 4
            xpar = j % 4
            ppar = (j // 4) % 2
            if b == 0:
                @pl.when(c + 1 < NCHUNK)
                def _():
                    start_pos(c + 1, 1 - ppar)
                wait_pos(ppar)
            j3 = j + 3
            b3 = j3 % 4
            c3 = 2 * m + j3 // 4
            npar = (xpar + 3) % 4

            @pl.when(g + 3 < G)
            def _():
                @pl.when(g >= 1)
                def _():
                    wait_out(npar)
                start_in(c3, b3, npar)
            wait_in(xpar)
            compute(xpar, ppar)
            start_out(c, b, xpar)
        return 0

    lax.fori_loop(0, NCHUNK // 2, window, 0)
    wait_out(0)
    wait_out(1)
    wait_out(2)
    wait_out(3)


def kernel(x, pos_table):
    mesh = plsc.VectorSubcoreMesh(core_axis_name="c", subcore_axis_name="s")
    k = pl.kernel(
        _sc_body,
        out_type=jax.ShapeDtypeStruct((B, S, D), jnp.float32),
        mesh=mesh,
        compiler_params=pltpu.CompilerParams(use_tc_tiling_on_sc=True),
        scratch_types=[
            pltpu.VMEM((CH, D), jnp.float32),
            pltpu.VMEM((CH, D), jnp.float32),
            pltpu.VMEM((CH, D), jnp.float32),
            pltpu.VMEM((CH, D), jnp.float32),
            pltpu.VMEM((CH, D), jnp.float32),
            pltpu.VMEM((CH, D), jnp.float32),
            pltpu.SemaphoreType.DMA,
            pltpu.SemaphoreType.DMA,
            pltpu.SemaphoreType.DMA,
            pltpu.SemaphoreType.DMA,
            pltpu.SemaphoreType.DMA,
            pltpu.SemaphoreType.DMA,
            pltpu.SemaphoreType.DMA,
            pltpu.SemaphoreType.DMA,
            pltpu.SemaphoreType.DMA,
            pltpu.SemaphoreType.DMA,
        ],
    )
    return k(x, pos_table[:S])

# --- scband reference (transcript-rebuilt; emitter-appended) ---
"""Pipeline reference for scband-learned-positional-encoding-67095979098842 (READ-ONLY COPY).

The authoritative reference and input builder live on the scoring server;
editing this copy changes nothing except your own understanding.
"""

import jax, jax.numpy as jnp
import numpy as np

D_MODEL = 1024
MAX_LEN = 8192

def setup_inputs(seed: int = 0) -> dict:
    key = jax.random.key(seed)
    k1, k2 = jax.random.split(key)
    x = jax.random.normal(k1, (4, 8192, D_MODEL), dtype=jnp.float32)
    # nn.Embedding default init: N(0, 1)
    pos_table = jax.random.normal(k2, (MAX_LEN, D_MODEL), dtype=jnp.float32)
    return {"x": x, "pos_table": pos_table}

def reference(x, pos_table):
    B, S, D = x.shape
    positions = jnp.arange(S)  # [S]
    positions = jnp.broadcast_to(positions[None, :], (B, S))  # [B, S]
    pos_emb = jnp.take(pos_table, positions, axis=0)  # [B, S, D] embedding gather
    return x + pos_emb

if __name__ == "__main__":
    import jax
    _d = setup_inputs()
    print(jax.jit(kernel)(*tuple(_d.values())))

</pallas_src>

<mosaic_0001>
#map = affine_map<(d0, d1) -> (0, 0, 0)>
#map1 = affine_map<(d0, d1) -> (0, 0)>
module attributes {stable_mosaic.version = 14 : i64} {
  func.func @_sc_body(%arg0: i32, %arg1: i32, %arg2: memref<4x8192x1024xf32, #tpu.memory_space<hbm>>, %arg3: memref<8192x1024xf32, #tpu.memory_space<hbm>>, %arg4: memref<4x8192x1024xf32, #tpu.memory_space<hbm>>, %arg5: memref<16x1024xf32, #tpu.memory_space<vmem>>, %arg6: memref<16x1024xf32, #tpu.memory_space<vmem>>, %arg7: memref<16x1024xf32, #tpu.memory_space<vmem>>, %arg8: memref<16x1024xf32, #tpu.memory_space<vmem>>, %arg9: memref<16x1024xf32, #tpu.memory_space<vmem>>, %arg10: memref<16x1024xf32, #tpu.memory_space<vmem>>, %arg11: memref<!tpu.dma_semaphore, #tpu.memory_space<semaphore_mem>>, %arg12: memref<!tpu.dma_semaphore, #tpu.memory_space<semaphore_mem>>, %arg13: memref<!tpu.dma_semaphore, #tpu.memory_space<semaphore_mem>>, %arg14: memref<!tpu.dma_semaphore, #tpu.memory_space<semaphore_mem>>, %arg15: memref<!tpu.dma_semaphore, #tpu.memory_space<semaphore_mem>>, %arg16: memref<!tpu.dma_semaphore, #tpu.memory_space<semaphore_mem>>, %arg17: memref<!tpu.dma_semaphore, #tpu.memory_space<semaphore_mem>>, %arg18: memref<!tpu.dma_semaphore, #tpu.memory_space<semaphore_mem>>, %arg19: memref<!tpu.dma_semaphore, #tpu.memory_space<semaphore_mem>>, %arg20: memref<!tpu.dma_semaphore, #tpu.memory_space<semaphore_mem>>) attributes {dimension_semantics = [#tpu.dimension_semantics<core_parallel>, #tpu.dimension_semantics<subcore_parallel>], iteration_bounds = array<i64: 2, 16>, scalar_prefetch = 0 : i64, scratch_operands = 16 : i64, tpu.core_type = #tpu.core_type<sc_vector_subcore>, window_params = [{transform_indices = #map}, {transform_indices = #map1}, {transform_indices = #map}]} {
    %mul3A = arith.constant 2 : i32
    %mul3A_0 = arith.muli %arg1, %mul3A : i32
    %add3A = arith.addi %mul3A_0, %arg0 : i32
    %mul3A_1 = arith.constant 256 : i32
    %mul3A_2 = arith.muli %add3A, %mul3A_1 : i32
    %add3A_3 = arith.constant 0 : i32
    %add3A_4 = arith.addi %mul3A_2, %add3A_3 : i32
    %dma_start3A = arith.constant 0 : i32
    %dma_start3A_5 = tpu.memref_slice %arg3[%add3A_4, %dma_start3A] : memref<8192x1024xf32, #tpu.memory_space<hbm>> -> memref<16x1024xf32, #tpu.memory_space<hbm>>
    %dma_start3A_6 = arith.constant 0 : i32
    %dma_start3A_7 = tpu.memref_slice %arg3[%add3A_4, %dma_start3A_6] : memref<8192x1024xf32, #tpu.memory_space<hbm>> -> memref<16x1024xf32, #tpu.memory_space<hbm>>
    tpu.enqueue_dma source(%dma_start3A_7 : memref<16x1024xf32, #tpu.memory_space<hbm>>) target(%arg5 : memref<16x1024xf32, #tpu.memory_space<vmem>>) target_semaphore(%arg19 : memref<!tpu.dma_semaphore, #tpu.memory_space<semaphore_mem>>)
    %add3A_8 = arith.constant 0 : i32
    %add3A_9 = arith.addi %mul3A_2, %add3A_8 : i32
    %dma_start3A_10 = arith.constant 0 : i32
    %dma_start3A_11 = arith.constant 0 : i32
    %dma_start3A_12 = tpu.memref_slice %arg2[%dma_start3A_10, %add3A_9, %dma_start3A_11] : memref<4x8192x1024xf32, #tpu.memory_space<hbm>> -> memref<1x16x1024xf32, #tpu.memory_space<hbm>>
    %dma_start3A_13 = tpu.memref_squeeze %dma_start3A_12 : memref<1x16x1024xf32, #tpu.memory_space<hbm>> -> memref<16x1024xf32, #tpu.memory_space<hbm>>
    %dma_start3A_14 = arith.constant 0 : i32
    %dma_start3A_15 = tpu.memref_slice %arg2[%dma_start3A_10, %add3A_9, %dma_start3A_14] : memref<4x8192x1024xf32, #tpu.memory_space<hbm>> -> memref<1x16x1024xf32, #tpu.memory_space<hbm>>
    %dma_start3A_16 = tpu.memref_squeeze %dma_start3A_15 : memref<1x16x1024xf32, #tpu.memory_space<hbm>> -> memref<16x1024xf32, #tpu.memory_space<hbm>>
    tpu.enqueue_dma source(%dma_start3A_16 : memref<16x1024xf32, #tpu.memory_space<hbm>>) target(%arg7 : memref<16x1024xf32, #tpu.memory_space<vmem>>) target_semaphore(%arg11 : memref<!tpu.dma_semaphore, #tpu.memory_space<semaphore_mem>>)
    %add3A_17 = arith.constant 0 : i32
    %add3A_18 = arith.addi %mul3A_2, %add3A_17 : i32
    %dma_start3A_19 = arith.constant 1 : i32
    %dma_start3A_20 = arith.constant 0 : i32
    %dma_start3A_21 = tpu.memref_slice %arg2[%dma_start3A_19, %add3A_18, %dma_start3A_20] : memref<4x8192x1024xf32, #tpu.memory_space<hbm>> -> memref<1x16x1024xf32, #tpu.memory_space<hbm>>
    %dma_start3A_22 = tpu.memref_squeeze %dma_start3A_21 : memref<1x16x1024xf32, #tpu.memory_space<hbm>> -> memref<16x1024xf32, #tpu.memory_space<hbm>>
    %dma_start3A_23 = arith.constant 0 : i32
    %dma_start3A_24 = tpu.memref_slice %arg2[%dma_start3A_19, %add3A_18, %dma_start3A_23] : memref<4x8192x1024xf32, #tpu.memory_space<hbm>> -> memref<1x16x1024xf32, #tpu.memory_space<hbm>>
    %dma_start3A_25 = tpu.memref_squeeze %dma_start3A_24 : memref<1x16x1024xf32, #tpu.memory_space<hbm>> -> memref<16x1024xf32, #tpu.memory_space<hbm>>
    tpu.enqueue_dma source(%dma_start3A_25 : memref<16x1024xf32, #tpu.memory_space<hbm>>) target(%arg8 : memref<16x1024xf32, #tpu.memory_space<vmem>>) target_semaphore(%arg12 : memref<!tpu.dma_semaphore, #tpu.memory_space<semaphore_mem>>)
    %add3A_26 = arith.constant 0 : i32
    %add3A_27 = arith.addi %mul3A_2, %add3A_26 : i32
    %dma_start3A_28 = arith.constant 2 : i32
    %dma_start3A_29 = arith.constant 0 : i32
    %dma_start3A_30 = tpu.memref_slice %arg2[%dma_start3A_28, %add3A_27, %dma_start3A_29] : memref<4x8192x1024xf32, #tpu.memory_space<hbm>> -> memref<1x16x1024xf32, #tpu.memory_space<hbm>>
    %dma_start3A_31 = tpu.memref_squeeze %dma_start3A_30 : memref<1x16x1024xf32, #tpu.memory_space<hbm>> -> memref<16x1024xf32, #tpu.memory_space<hbm>>
    %dma_start3A_32 = arith.constant 0 : i32
    %dma_start3A_33 = tpu.memref_slice %arg2[%dma_start3A_28, %add3A_27, %dma_start3A_32] : memref<4x8192x1024xf32, #tpu.memory_space<hbm>> -> memref<1x16x1024xf32, #tpu.memory_space<hbm>>
    %dma_start3A_34 = tpu.memref_squeeze %dma_start3A_33 : memref<1x16x1024xf32, #tpu.memory_space<hbm>> -> memref<16x1024xf32, #tpu.memory_space<hbm>>
    tpu.enqueue_dma source(%dma_start3A_34 : memref<16x1024xf32, #tpu.memory_space<hbm>>) target(%arg9 : memref<16x1024xf32, #tpu.memory_space<vmem>>) target_semaphore(%arg13 : memref<!tpu.dma_semaphore, #tpu.memory_space<semaphore_mem>>)
    %scan3A = arith.constant 0 : i32
    %scan3A_35 = arith.constant 0 : i32
    %scan3A_36 = arith.constant 8 : i32
    %scan3A_37 = arith.addi %scan3A_35, %scan3A_36 : i32
    %scan3A_38 = arith.constant 1 : i32
    %scan3A_39 = scf.for %scan3A_76 = %scan3A_35 to %scan3A_37 step %scan3A_38 iter_args(%scan3A_77 = %scan3A) -> (i32)  : i32 {
      %mul3A_78 = arith.constant 8 : i32
      %mul3A_79 = arith.muli %mul3A_78, %scan3A_76 : i32
      %add3A_80 = arith.constant 0 : i32
      %add3A_81 = arith.addi %mul3A_79, %add3A_80 : i32
      %mul3A_82 = arith.constant 2 : i32
      %mul3A_83 = arith.muli %mul3A_82, %scan3A_76 : i32
      %add3A_84 = arith.constant 0 : i32
      %add3A_85 = arith.addi %mul3A_83, %add3A_84 : i32
      %add3A_86 = arith.constant 1 : i32
      %add3A_87 = arith.addi %add3A_85, %add3A_86 : i32
      %lt3A = arith.constant 16 : i32
      %lt3A_88 = arith.cmpi slt, %add3A_87, %lt3A : i32
      %convert_element_type3A = arith.extui %lt3A_88 : i1 to i32
      %cond3A = arith.constant 0 : i32
      %cond3A_89 = arith.cmpi ne, %convert_element_type3A, %cond3A : i32
      scf.if %cond3A_89 {
        %add3A_429 = arith.constant 1 : i32
        %add3A_430 = arith.addi %add3A_85, %add3A_429 : i32
        %mul3A_431 = arith.constant 16 : i32
        %mul3A_432 = arith.muli %add3A_430, %mul3A_431 : i32
        %add3A_433 = arith.addi %mul3A_2, %mul3A_432 : i32
        %dma_start3A_434 = arith.constant 0 : i32
        %dma_start3A_435 = tpu.memref_slice %arg3[%add3A_433, %dma_start3A_434] : memref<8192x1024xf32, #tpu.memory_space<hbm>> -> memref<16x1024xf32, #tpu.memory_space<hbm>>
        %dma_start3A_436 = arith.constant 0 : i32
        %dma_start3A_437 = tpu.memref_slice %arg3[%add3A_433, %dma_start3A_436] : memref<8192x1024xf32, #tpu.memory_space<hbm>> -> memref<16x1024xf32, #tpu.memory_space<hbm>>
        tpu.enqueue_dma source(%dma_start3A_437 : memref<16x1024xf32, #tpu.memory_space<hbm>>) target(%arg6 : memref<16x1024xf32, #tpu.memory_space<vmem>>) target_semaphore(%arg20 : memref<!tpu.dma_semaphore, #tpu.memory_space<semaphore_mem>>)
      } else {
      }
      %dma_wait3A_90 = arith.constant 0 : i32
      %dma_wait3A_91 = arith.constant 0 : i32
      %dma_wait3A_92 = tpu.memref_slice %arg3[%dma_wait3A_90, %dma_wait3A_91] : memref<8192x1024xf32, #tpu.memory_space<hbm>> -> memref<16x1024xf32, #tpu.memory_space<hbm>>
      %dma_wait3A_93 = arith.constant 0 : i32
      %dma_wait3A_94 = arith.constant 0 : i32
      %dma_wait3A_95 = tpu.memref_slice %arg3[%dma_wait3A_93, %dma_wait3A_94] : memref<8192x1024xf32, #tpu.memory_space<hbm>> -> memref<16x1024xf32, #tpu.memory_space<hbm>>
      tpu.wait_dma2 semaphore(%arg19 : memref<!tpu.dma_semaphore, #tpu.memory_space<semaphore_mem>>) src(%dma_wait3A_95 : memref<16x1024xf32, #tpu.memory_space<hbm>>) dst(%arg5 : memref<16x1024xf32, #tpu.memory_space<vmem>>)
      %mul3A_96 = arith.constant 2 : i32
      %mul3A_97 = arith.muli %mul3A_96, %scan3A_76 : i32
      %add3A_98 = arith.constant 0 : i32
      %add3A_99 = arith.addi %mul3A_97, %add3A_98 : i32
      %add3A_100 = arith.constant 3 : i32
      %add3A_101 = arith.addi %add3A_81, %add3A_100 : i32
      %lt3A_102 = arith.constant 64 : i32
      %lt3A_103 = arith.cmpi slt, %add3A_101, %lt3A_102 : i32
      %convert_element_type3A_104 = arith.extui %lt3A_103 : i1 to i32
      %cond3A_105 = arith.constant 0 : i32
      %cond3A_106 = arith.cmpi ne, %convert_element_type3A_104, %cond3A_105 : i32
      scf.if %cond3A_106 {
        %ge3A = arith.constant 1 : i32
        %ge3A_429 = arith.cmpi sge, %add3A_81, %ge3A : i32
        %convert_element_type3A_430 = arith.extui %ge3A_429 : i1 to i32
        %cond3A_431 = arith.constant 0 : i32
        %cond3A_432 = arith.cmpi ne, %convert_element_type3A_430, %cond3A_431 : i32
        scf.if %cond3A_432 {
          %dma_wait3A_443 = arith.constant 0 : i32
          %dma_wait3A_444 = arith.constant 0 : i32
          %dma_wait3A_445 = arith.constant 0 : i32
          %dma_wait3A_446 = tpu.memref_slice %arg4[%dma_wait3A_443, %dma_wait3A_444, %dma_wait3A_445] : memref<4x8192x1024xf32, #tpu.memory_space<hbm>> -> memref<1x16x1024xf32, #tpu.memory_space<hbm>>
          %dma_wait3A_447 = tpu.memref_squeeze %dma_wait3A_446 : memref<1x16x1024xf32, #tpu.memory_space<hbm>> -> memref<16x1024xf32, #tpu.memory_space<hbm>>
          %dma_wait3A_448 = arith.constant 0 : i32
          %dma_wait3A_449 = arith.constant 0 : i32
          %dma_wait3A_450 = tpu.memref_slice %arg4[%dma_wait3A_443, %dma_wait3A_448, %dma_wait3A_449] : memref<4x8192x1024xf32, #tpu.memory_space<hbm>> -> memref<1x16x1024xf32, #tpu.memory_space<hbm>>
          %dma_wait3A_451 = tpu.memref_squeeze %dma_wait3A_450 : memref<1x16x1024xf32, #tpu.memory_space<hbm>> -> memref<16x1024xf32, #tpu.memory_space<hbm>>
          tpu.wait_dma2 semaphore(%arg18 : memref<!tpu.dma_semaphore, #tpu.memory_space<semaphore_mem>>) src(%arg10 : memref<16x1024xf32, #tpu.memory_space<vmem>>) dst(%dma_wait3A_451 : memref<16x1024xf32, #tpu.memory_space<hbm>>)
        } else {
        }
        %mul3A_433 = arith.constant 16 : i32
        %mul3A_434 = arith.muli %add3A_99, %mul3A_433 : i32
        %add3A_435 = arith.addi %mul3A_2, %mul3A_434 : i32
        %dma_start3A_436 = arith.constant 3 : i32
        %dma_start3A_437 = arith.constant 0 : i32
        %dma_start3A_438 = tpu.memref_slice %arg2[%dma_start3A_436, %add3A_435, %dma_start3A_437] : memref<4x8192x1024xf32, #tpu.memory_space<hbm>> -> memref<1x16x1024xf32, #tpu.memory_space<hbm>>
        %dma_start3A_439 = tpu.memref_squeeze %dma_start3A_438 : memref<1x16x1024xf32, #tpu.memory_space<hbm>> -> memref<16x1024xf32, #tpu.memory_space<hbm>>
        %dma_start3A_440 = arith.constant 0 : i32
        %dma_start3A_441 = tpu.memref_slice %arg2[%dma_start3A_436, %add3A_435, %dma_start3A_440] : memref<4x8192x1024xf32, #tpu.memory_space<hbm>> -> memref<1x16x1024xf32, #tpu.memory_space<hbm>>
        %dma_start3A_442 = tpu.memref_squeeze %dma_start3A_441 : memref<1x16x1024xf32, #tpu.memory_space<hbm>> -> memref<16x1024xf32, #tpu.memory_space<hbm>>
        tpu.enqueue_dma source(%dma_start3A_442 : memref<16x1024xf32, #tpu.memory_space<hbm>>) target(%arg10 : memref<16x1024xf32, #tpu.memory_space<vmem>>) target_semaphore(%arg14 : memref<!tpu.dma_semaphore, #tpu.memory_space<semaphore_mem>>)
      } else {
      }
      %dma_wait3A_107 = arith.constant 0 : i32
      %dma_wait3A_108 = arith.constant 0 : i32
      %dma_wait3A_109 = arith.constant 0 : i32
      %dma_wait3A_110 = tpu.memref_slice %arg2[%dma_wait3A_107, %dma_wait3A_108, %dma_wait3A_109] : memref<4x8192x1024xf32, #tpu.memory_space<hbm>> -> memref<1x16x1024xf32, #tpu.memory_space<hbm>>
      %dma_wait3A_111 = tpu.memref_squeeze %dma_wait3A_110 : memref<1x16x1024xf32, #tpu.memory_space<hbm>> -> memref<16x1024xf32, #tpu.memory_space<hbm>>
      %dma_wait3A_112 = arith.constant 0 : i32
      %dma_wait3A_113 = arith.constant 0 : i32
      %dma_wait3A_114 = tpu.memref_slice %arg2[%dma_wait3A_107, %dma_wait3A_112, %dma_wait3A_113] : memref<4x8192x1024xf32, #tpu.memory_space<hbm>> -> memref<1x16x1024xf32, #tpu.memory_space<hbm>>
      %dma_wait3A_115 = tpu.memref_squeeze %dma_wait3A_114 : memref<1x16x1024xf32, #tpu.memory_space<hbm>> -> memref<16x1024xf32, #tpu.memory_space<hbm>>
      tpu.wait_dma2 semaphore(%arg11 : memref<!tpu.dma_semaphore, #tpu.memory_space<semaphore_mem>>) src(%dma_wait3A_115 : memref<16x1024xf32, #tpu.memory_space<hbm>>) dst(%arg7 : memref<16x1024xf32, #tpu.memory_space<vmem>>)
      %parallel_loop3A = arith.constant 0 : i32
      %parallel_loop3A_116 = arith.constant 1024 : i32
      %parallel_loop3A_117 = arith.constant 1 : i32
      scf.for %parallel_loop3A_429 = %parallel_loop3A to %parallel_loop3A_116 step %parallel_loop3A_117  : i32 {
        %parallel_loop3A_430 = arith.constant 64 : i32
        %parallel_loop3A_431 = arith.divsi %parallel_loop3A_429, %parallel_loop3A_430 : i32
        %parallel_loop3A_432 = arith.constant 0 : i32
        %parallel_loop3A_433 = arith.cmpi sgt, %parallel_loop3A_429, %parallel_loop3A_432 : i32
        %parallel_loop3A_434 = arith.extui %parallel_loop3A_433 : i1 to i32
        %parallel_loop3A_435 = arith.constant 0 : i32
        %parallel_loop3A_436 = arith.cmpi slt, %parallel_loop3A_429, %parallel_loop3A_435 : i32
        %parallel_loop3A_437 = arith.extui %parallel_loop3A_436 : i1 to i32
        %parallel_loop3A_438 = arith.subi %parallel_loop3A_434, %parallel_loop3A_437 : i32
        %parallel_loop3A_439 = arith.constant 0 : i32
        %parallel_loop3A_440 = arith.cmpi sgt, %parallel_loop3A_430, %parallel_loop3A_439 : i32
        %parallel_loop3A_441 = arith.extui %parallel_loop3A_440 : i1 to i32
        %parallel_loop3A_442 = arith.constant 0 : i32
        %parallel_loop3A_443 = arith.cmpi slt, %parallel_loop3A_430, %parallel_loop3A_442 : i32
        %parallel_loop3A_444 = arith.extui %parallel_loop3A_443 : i1 to i32
        %parallel_loop3A_445 = arith.subi %parallel_loop3A_441, %parallel_loop3A_444 : i32
        %parallel_loop3A_446 = arith.cmpi ne, %parallel_loop3A_438, %parallel_loop3A_445 : i32
        %parallel_loop3A_447 = arith.remsi %parallel_loop3A_429, %parallel_loop3A_430 : i32
        %parallel_loop3A_448 = arith.constant 0 : i32
        %parallel_loop3A_449 = arith.cmpi ne, %parallel_loop3A_447, %parallel_loop3A_448 : i32
        %parallel_loop3A_450 = arith.andi %parallel_loop3A_446, %parallel_loop3A_449 : i1
        %parallel_loop3A_451 = arith.constant 1 : i32
        %parallel_loop3A_452 = arith.subi %parallel_loop3A_431, %parallel_loop3A_451 : i32
        %parallel_loop3A_453 = arith.select %parallel_loop3A_450, %parallel_loop3A_452, %parallel_loop3A_431 : i32
        %parallel_loop3A_454 = arith.constant 64 : i32
        %parallel_loop3A_455 = arith.constant 0 : i32
        %parallel_loop3A_456 = arith.cmpi eq, %parallel_loop3A_454, %parallel_loop3A_455 : i32
        %parallel_loop3A_457 = arith.constant 1 : i32
        %parallel_loop3A_458 = arith.select %parallel_loop3A_456, %parallel_loop3A_457, %parallel_loop3A_454 : i32
        %parallel_loop3A_459 = arith.remsi %parallel_loop3A_429, %parallel_loop3A_458 : i32
        %parallel_loop3A_460 = arith.constant 0 : i32
        %parallel_loop3A_461 = arith.cmpi ne, %parallel_loop3A_459, %parallel_loop3A_460 : i32
        %parallel_loop3A_462 = arith.constant 0 : i32
        %parallel_loop3A_463 = arith.cmpi slt, %parallel_loop3A_459, %parallel_loop3A_462 : i32
        %parallel_loop3A_464 = arith.constant 0 : i32
        %parallel_loop3A_465 = arith.cmpi slt, %parallel_loop3A_458, %parallel_loop3A_464 : i32
        %parallel_loop3A_466 = arith.xori %parallel_loop3A_463, %parallel_loop3A_465 : i1
        %parallel_loop3A_467 = arith.andi %parallel_loop3A_466, %parallel_loop3A_461 : i1
        %parallel_loop3A_468 = arith.addi %parallel_loop3A_459, %parallel_loop3A_458 : i32
        %parallel_loop3A_469 = arith.select %parallel_loop3A_467, %parallel_loop3A_468, %parallel_loop3A_459 : i32
        %parallel_loop3A_470 = arith.constant 16 : i32
        %parallel_loop3A_471 = arith.muli %parallel_loop3A_469, %parallel_loop3A_470 : i32
        %parallel_loop3A_472 = arith.index_cast %parallel_loop3A_453 : i32 to index
        %parallel_loop3A_473 = arith.index_cast %parallel_loop3A_471 : i32 to index
        %parallel_loop3A_474 = tpu.vector_load %arg5[%parallel_loop3A_472, %parallel_loop3A_473] {strides = array<i32>} : memref<16x1024xf32, #tpu.memory_space<vmem>>, vector<1x16xf32>,
        %parallel_loop3A_475 = vector.shape_cast %parallel_loop3A_474 : vector<1x16xf32> to vector<16xf32>
        %parallel_loop3A_476 = arith.index_cast %parallel_loop3A_453 : i32 to index
        %parallel_loop3A_477 = arith.index_cast %parallel_loop3A_471 : i32 to index
        %parallel_loop3A_478 = tpu.vector_load %arg7[%parallel_loop3A_476, %parallel_loop3A_477] {strides = array<i32>} : memref<16x1024xf32, #tpu.memory_space<vmem>>, vector<1x16xf32>,
        %parallel_loop3A_479 = vector.shape_cast %parallel_loop3A_478 : vector<1x16xf32> to vector<16xf32>
        %parallel_loop3A_480 = vector.shape_cast %parallel_loop3A_475 : vector<16xf32> to vector<1x16xf32>
        tpu.vector_store %arg7[%parallel_loop3A_476, %parallel_loop3A_477], %parallel_loop3A_480 {add = true, strides = array<i32>} : memref<16x1024xf32, #tpu.memory_space<vmem>>, vector<1x16xf32>,
      } {sc.loop_unroll_factor = 8 : i64, sc.parallel_access}
      %mul3A_118 = arith.constant 16 : i32
      %mul3A_119 = arith.muli %add3A_85, %mul3A_118 : i32
      %add3A_120 = arith.addi %mul3A_2, %mul3A_119 : i32
      %dma_start3A_121 = arith.constant 0 : i32
      %dma_start3A_122 = arith.constant 0 : i32
      %dma_start3A_123 = tpu.memref_slice %arg4[%dma_start3A_121, %add3A_120, %dma_start3A_122] : memref<4x8192x1024xf32, #tpu.memory_space<hbm>> -> memref<1x16x1024xf32, #tpu.memory_space<hbm>>
      %dma_start3A_124 = tpu.memref_squeeze %dma_start3A_123 : memref<1x16x1024xf32, #tpu.memory_space<hbm>> -> memref<16x1024xf32, #tpu.memory_space<hbm>>
      %dma_start3A_125 = arith.constant 0 : i32
      %dma_start3A_126 = tpu.memref_slice %arg4[%dma_start3A_121, %add3A_120, %dma_start3A_125] : memref<4x8192x1024xf32, #tpu.memory_space<hbm>> -> memref<1x16x1024xf32, #tpu.memory_space<hbm>>
      %dma_start3A_127 = tpu.memref_squeeze %dma_start3A_126 : memref<1x16x1024xf32, #tpu.memory_space<hbm>> -> memref<16x1024xf32, #tpu.memory_space<hbm>>
      tpu.enqueue_dma source(%arg7 : memref<16x1024xf32, #tpu.memory_space<vmem>>) target(%dma_start3A_127 : memref<16x1024xf32, #tpu.memory_space<hbm>>) target_semaphore(%arg15 : memref<!tpu.dma_semaphore, #tpu.memory_space<semaphore_mem>>)
      %mul3A_128 = arith.constant 8 : i32
      %mul3A_129 = arith.muli %mul3A_128, %scan3A_76 : i32
      %add3A_130 = arith.constant 1 : i32
      %add3A_131 = arith.addi %mul3A_129, %add3A_130 : i32
      %mul3A_132 = arith.constant 2 : i32
      %mul3A_133 = arith.muli %mul3A_132, %scan3A_76 : i32
      %add3A_134 = arith.constant 0 : i32
      %add3A_135 = arith.addi %mul3A_133, %add3A_134 : i32
      %mul3A_136 = arith.constant 2 : i32
      %mul3A_137 = arith.muli %mul3A_136, %scan3A_76 : i32
      %add3A_138 = arith.constant 1 : i32
      %add3A_139 = arith.addi %mul3A_137, %add3A_138 : i32
      %add3A_140 = arith.constant 3 : i32
      %add3A_141 = arith.addi %add3A_131, %add3A_140 : i32
      %lt3A_142 = arith.constant 64 : i32
      %lt3A_143 = arith.cmpi slt, %add3A_141, %lt3A_142 : i32
      %convert_element_type3A_144 = arith.extui %lt3A_143 : i1 to i32
      %cond3A_145 = arith.constant 0 : i32
      %cond3A_146 = arith.cmpi ne, %convert_element_type3A_144, %cond3A_145 : i32
      scf.if %cond3A_146 {
        %ge3A = arith.constant 1 : i32
        %ge3A_429 = arith.cmpi sge, %add3A_131, %ge3A : i32
        %convert_element_type3A_430 = arith.extui %ge3A_429 : i1 to i32
        %cond3A_431 = arith.constant 0 : i32
        %cond3A_432 = arith.cmpi ne, %convert_element_type3A_430, %cond3A_431 : i32
        scf.if %cond3A_432 {
          %dma_wait3A_443 = arith.constant 0 : i32
          %dma_wait3A_444 = arith.constant 0 : i32
          %dma_wait3A_445 = arith.constant 0 : i32
          %dma_wait3A_446 = tpu.memref_slice %arg4[%dma_wait3A_443, %dma_wait3A_444, %dma_wait3A_445] : memref<4x8192x1024xf32, #tpu.memory_space<hbm>> -> memref<1x16x1024xf32, #tpu.memory_space<hbm>>
          %dma_wait3A_447 = tpu.memref_squeeze %dma_wait3A_446 : memref<1x16x1024xf32, #tpu.memory_space<hbm>> -> memref<16x1024xf32, #tpu.memory_space<hbm>>
          %dma_wait3A_448 = arith.constant 0 : i32
          %dma_wait3A_449 = arith.constant 0 : i32
          %dma_wait3A_450 = tpu.memref_slice %arg4[%dma_wait3A_443, %dma_wait3A_448, %dma_wait3A_449] : memref<4x8192x1024xf32, #tpu.memory_space<hbm>> -> memref<1x16x1024xf32, #tpu.memory_space<hbm>>
          %dma_wait3A_451 = tpu.memref_squeeze %dma_wait3A_450 : memref<1x16x1024xf32, #tpu.memory_space<hbm>> -> memref<16x1024xf32, #tpu.memory_space<hbm>>
          tpu.wait_dma2 semaphore(%arg15 : memref<!tpu.dma_semaphore, #tpu.memory_space<semaphore_mem>>) src(%arg7 : memref<16x1024xf32, #tpu.memory_space<vmem>>) dst(%dma_wait3A_451 : memref<16x1024xf32, #tpu.memory_space<hbm>>)
        } else {
        }
        %mul3A_433 = arith.constant 16 : i32
        %mul3A_434 = arith.muli %add3A_139, %mul3A_433 : i32
        %add3A_435 = arith.addi %mul3A_2, %mul3A_434 : i32
        %dma_start3A_436 = arith.constant 0 : i32
        %dma_start3A_437 = arith.constant 0 : i32
        %dma_start3A_438 = tpu.memref_slice %arg2[%dma_start3A_436, %add3A_435, %dma_start3A_437] : memref<4x8192x1024xf32, #tpu.memory_space<hbm>> -> memref<1x16x1024xf32, #tpu.memory_space<hbm>>
        %dma_start3A_439 = tpu.memref_squeeze %dma_start3A_438 : memref<1x16x1024xf32, #tpu.memory_space<hbm>> -> memref<16x1024xf32, #tpu.memory_space<hbm>>
        %dma_start3A_440 = arith.constant 0 : i32
        %dma_start3A_441 = tpu.memref_slice %arg2[%dma_start3A_436, %add3A_435, %dma_start3A_440] : memref<4x8192x1024xf32, #tpu.memory_space<hbm>> -> memref<1x16x1024xf32, #tpu.memory_space<hbm>>
        %dma_start3A_442 = tpu.memref_squeeze %dma_start3A_441 : memref<1x16x1024xf32, #tpu.memory_space<hbm>> -> memref<16x1024xf32, #tpu.memory_space<hbm>>
        tpu.enqueue_dma source(%dma_start3A_442 : memref<16x1024xf32, #tpu.memory_space<hbm>>) target(%arg7 : memref<16x1024xf32, #tpu.memory_space<vmem>>) target_semaphore(%arg11 : memref<!tpu.dma_semaphore, #tpu.memory_space<semaphore_mem>>)
      } else {
      }
      %dma_wait3A_147 = arith.constant 0 : i32
      %dma_wait3A_148 = arith.constant 0 : i32
      %dma_wait3A_149 = arith.constant 0 : i32
      %dma_wait3A_150 = tpu.memref_slice %arg2[%dma_wait3A_147, %dma_wait3A_148, %dma_wait3A_149] : memref<4x8192x1024xf32, #tpu.memory_space<hbm>> -> memref<1x16x1024xf32, #tpu.memory_space<hbm>>
      %dma_wait3A_151 = tpu.memref_squeeze %dma_wait3A_150 : memref<1x16x1024xf32, #tpu.memory_space<hbm>> -> memref<16x1024xf32, #tpu.memory_space<hbm>>
      %dma_wait3A_152 = arith.constant 0 : i32
      %dma_wait3A_153 = arith.constant 0 : i32
      %dma_wait3A_154 = tpu.memref_slice %arg2[%dma_wait3A_147, %dma_wait3A_152, %dma_wait3A_153] : memref<4x8192x1024xf32, #tpu.memory_space<hbm>> -> memref<1x16x1024xf32, #tpu.memory_space<hbm>>
      %dma_wait3A_155 = tpu.memref_squeeze %dma_wait3A_154 : memref<1x16x1024xf32, #tpu.memory_space<hbm>> -> memref<16x1024xf32, #tpu.memory_space<hbm>>
      tpu.wait_dma2 semaphore(%arg12 : memref<!tpu.dma_semaphore, #tpu.memory_space<semaphore_mem>>) src(%dma_wait3A_155 : memref<16x1024xf32, #tpu.memory_space<hbm>>) dst(%arg8 : memref<16x1024xf32, #tpu.memory_space<vmem>>)
      %parallel_loop3A_156 = arith.constant 0 : i32
      %parallel_loop3A_157 = arith.constant 1024 : i32
      %parallel_loop3A_158 = arith.constant 1 : i32
      scf.for %parallel_loop3A_429 = %parallel_loop3A_156 to %parallel_loop3A_157 step %parallel_loop3A_158  : i32 {
        %parallel_loop3A_430 = arith.constant 64 : i32
        %parallel_loop3A_431 = arith.divsi %parallel_loop3A_429, %parallel_loop3A_430 : i32
        %parallel_loop3A_432 = arith.constant 0 : i32
        %parallel_loop3A_433 = arith.cmpi sgt, %parallel_loop3A_429, %parallel_loop3A_432 : i32
        %parallel_loop3A_434 = arith.extui %parallel_loop3A_433 : i1 to i32
        %parallel_loop3A_435 = arith.constant 0 : i32
        %parallel_loop3A_436 = arith.cmpi slt, %parallel_loop3A_429, %parallel_loop3A_435 : i32
        %parallel_loop3A_437 = arith.extui %parallel_loop3A_436 : i1 to i32
        %parallel_loop3A_438 = arith.subi %parallel_loop3A_434, %parallel_loop3A_437 : i32
        %parallel_loop3A_439 = arith.constant 0 : i32
        %parallel_loop3A_440 = arith.cmpi sgt, %parallel_loop3A_430, %parallel_loop3A_439 : i32
        %parallel_loop3A_441 = arith.extui %parallel_loop3A_440 : i1 to i32
        %parallel_loop3A_442 = arith.constant 0 : i32
        %parallel_loop3A_443 = arith.cmpi slt, %parallel_loop3A_430, %parallel_loop3A_442 : i32
        %parallel_loop3A_444 = arith.extui %parallel_loop3A_443 : i1 to i32
        %parallel_loop3A_445 = arith.subi %parallel_loop3A_441, %parallel_loop3A_444 : i32
        %parallel_loop3A_446 = arith.cmpi ne, %parallel_loop3A_438, %parallel_loop3A_445 : i32
        %parallel_loop3A_447 = arith.remsi %parallel_loop3A_429, %parallel_loop3A_430 : i32
        %parallel_loop3A_448 = arith.constant 0 : i32
        %parallel_loop3A_449 = arith.cmpi ne, %parallel_loop3A_447, %parallel_loop3A_448 : i32
        %parallel_loop3A_450 = arith.andi %parallel_loop3A_446, %parallel_loop3A_449 : i1
        %parallel_loop3A_451 = arith.constant 1 : i32
        %parallel_loop3A_452 = arith.subi %parallel_loop3A_431, %parallel_loop3A_451 : i32
        %parallel_loop3A_453 = arith.select %parallel_loop3A_450, %parallel_loop3A_452, %parallel_loop3A_431 : i32
        %parallel_loop3A_454 = arith.constant 64 : i32
        %parallel_loop3A_455 = arith.constant 0 : i32
        %parallel_loop3A_456 = arith.cmpi eq, %parallel_loop3A_454, %parallel_loop3A_455 : i32
        %parallel_loop3A_457 = arith.constant 1 : i32
        %parallel_loop3A_458 = arith.select %parallel_loop3A_456, %parallel_loop3A_457, %parallel_loop3A_454 : i32
        %parallel_loop3A_459 = arith.remsi %parallel_loop3A_429, %parallel_loop3A_458 : i32
        %parallel_loop3A_460 = arith.constant 0 : i32
        %parallel_loop3A_461 = arith.cmpi ne, %parallel_loop3A_459, %parallel_loop3A_460 : i32
        %parallel_loop3A_462 = arith.constant 0 : i32
        %parallel_loop3A_463 = arith.cmpi slt, %parallel_loop3A_459, %parallel_loop3A_462 : i32
        %parallel_loop3A_464 = arith.constant 0 : i32
        %parallel_loop3A_465 = arith.cmpi slt, %parallel_loop3A_458, %parallel_loop3A_464 : i32
        %parallel_loop3A_466 = arith.xori %parallel_loop3A_463, %parallel_loop3A_465 : i1
        %parallel_loop3A_467 = arith.andi %parallel_loop3A_466, %parallel_loop3A_461 : i1
        %parallel_loop3A_468 = arith.addi %parallel_loop3A_459, %parallel_loop3A_458 : i32
        %parallel_loop3A_469 = arith.select %parallel_loop3A_467, %parallel_loop3A_468, %parallel_loop3A_459 : i32
        %parallel_loop3A_470 = arith.constant 16 : i32
        %parallel_loop3A_471 = arith.muli %parallel_loop3A_469, %parallel_loop3A_470 : i32
        %parallel_loop3A_472 = arith.index_cast %parallel_loop3A_453 : i32 to index
        %parallel_loop3A_473 = arith.index_cast %parallel_loop3A_471 : i32 to index
        %parallel_loop3A_474 = tpu.vector_load %arg5[%parallel_loop3A_472, %parallel_loop3A_473] {strides = array<i32>} : memref<16x1024xf32, #tpu.memory_space<vmem>>, vector<1x16xf32>,
        %parallel_loop3A_475 = vector.shape_cast %parallel_loop3A_474 : vector<1x16xf32> to vector<16xf32>
        %parallel_loop3A_476 = arith.index_cast %parallel_loop3A_453 : i32 to index
        %parallel_loop3A_477 = arith.index_cast %parallel_loop3A_471 : i32 to index
        %parallel_loop3A_478 = tpu.vector_load %arg8[%parallel_loop3A_476, %parallel_loop3A_477] {strides = array<i32>} : memref<16x1024xf32, #tpu.memory_space<vmem>>, vector<1x16xf32>,
        %parallel_loop3A_479 = vector.shape_cast %parallel_loop3A_478 : vector<1x16xf32> to vector<16xf32>
        %parallel_loop3A_480 = vector.shape_cast %parallel_loop3A_475 : vector<16xf32> to vector<1x16xf32>
        tpu.vector_store %arg8[%parallel_loop3A_476, %parallel_loop3A_477], %parallel_loop3A_480 {add = true, strides = array<i32>} : memref<16x1024xf32, #tpu.memory_space<vmem>>, vector<1x16xf32>,
      } {sc.loop_unroll_factor = 8 : i64, sc.parallel_access}
      %mul3A_159 = arith.constant 16 : i32
      %mul3A_160 = arith.muli %add3A_135, %mul3A_159 : i32
      %add3A_161 = arith.addi %mul3A_2, %mul3A_160 : i32
      %dma_start3A_162 = arith.constant 1 : i32
      %dma_start3A_163 = arith.constant 0 : i32
      %dma_start3A_164 = tpu.memref_slice %arg4[%dma_start3A_162, %add3A_161, %dma_start3A_163] : memref<4x8192x1024xf32, #tpu.memory_space<hbm>> -> memref<1x16x1024xf32, #tpu.memory_space<hbm>>
      %dma_start3A_165 = tpu.memref_squeeze %dma_start3A_164 : memref<1x16x1024xf32, #tpu.memory_space<hbm>> -> memref<16x1024xf32, #tpu.memory_space<hbm>>
      %dma_start3A_166 = arith.constant 0 : i32
      %dma_start3A_167 = tpu.memref_slice %arg4[%dma_start3A_162, %add3A_161, %dma_start3A_166] : memref<4x8192x1024xf32, #tpu.memory_space<hbm>> -> memref<1x16x1024xf32, #tpu.memory_space<hbm>>
      %dma_start3A_168 = tpu.memref_squeeze %dma_start3A_167 : memref<1x16x1024xf32, #tpu.memory_space<hbm>> -> memref<16x1024xf32, #tpu.memory_space<hbm>>
      tpu.enqueue_dma source(%arg8 : memref<16x1024xf32, #tpu.memory_space<vmem>>) target(%dma_start3A_168 : memref<16x1024xf32, #tpu.memory_space<hbm>>) target_semaphore(%arg16 : memref<!tpu.dma_semaphore, #tpu.memory_space<semaphore_mem>>)
      %mul3A_169 = arith.constant 8 : i32
      %mul3A_170 = arith.muli %mul3A_169, %scan3A_76 : i32
      %add3A_171 = arith.constant 2 : i32
      %add3A_172 = arith.addi %mul3A_170, %add3A_171 : i32
      %mul3A_173 = arith.constant 2 : i32
      %mul3A_174 = arith.muli %mul3A_173, %scan3A_76 : i32
      %add3A_175 = arith.constant 0 : i32
      %add3A_176 = arith.addi %mul3A_174, %add3A_175 : i32
      %mul3A_177 = arith.constant 2 : i32
      %mul3A_178 = arith.muli %mul3A_177, %scan3A_76 : i32
      %add3A_179 = arith.constant 1 : i32
      %add3A_180 = arith.addi %mul3A_178, %add3A_179 : i32
      %add3A_181 = arith.constant 3 : i32
      %add3A_182 = arith.addi %add3A_172, %add3A_181 : i32
      %lt3A_183 = arith.constant 64 : i32
      %lt3A_184 = arith.cmpi slt, %add3A_182, %lt3A_183 : i32
      %convert_element_type3A_185 = arith.extui %lt3A_184 : i1 to i32
      %cond3A_186 = arith.constant 0 : i32
      %cond3A_187 = arith.cmpi ne, %convert_element_type3A_185, %cond3A_186 : i32
      scf.if %cond3A_187 {
        %ge3A = arith.constant 1 : i32
        %ge3A_429 = arith.cmpi sge, %add3A_172, %ge3A : i32
        %convert_element_type3A_430 = arith.extui %ge3A_429 : i1 to i32
        %cond3A_431 = arith.constant 0 : i32
        %cond3A_432 = arith.cmpi ne, %convert_element_type3A_430, %cond3A_431 : i32
        scf.if %cond3A_432 {
          %dma_wait3A_443 = arith.constant 0 : i32
          %dma_wait3A_444 = arith.constant 0 : i32
          %dma_wait3A_445 = arith.constant 0 : i32
          %dma_wait3A_446 = tpu.memref_slice %arg4[%dma_wait3A_443, %dma_wait3A_444, %dma_wait3A_445] : memref<4x8192x1024xf32, #tpu.memory_space<hbm>> -> memref<1x16x1024xf32, #tpu.memory_space<hbm>>
          %dma_wait3A_447 = tpu.memref_squeeze %dma_wait3A_446 : memref<1x16x1024xf32, #tpu.memory_space<hbm>> -> memref<16x1024xf32, #tpu.memory_space<hbm>>
          %dma_wait3A_448 = arith.constant 0 : i32
          %dma_wait3A_449 = arith.constant 0 : i32
          %dma_wait3A_450 = tpu.memref_slice %arg4[%dma_wait3A_443, %dma_wait3A_448, %dma_wait3A_449] : memref<4x8192x1024xf32, #tpu.memory_space<hbm>> -> memref<1x16x1024xf32, #tpu.memory_space<hbm>>
          %dma_wait3A_451 = tpu.memref_squeeze %dma_wait3A_450 : memref<1x16x1024xf32, #tpu.memory_space<hbm>> -> memref<16x1024xf32, #tpu.memory_space<hbm>>
          tpu.wait_dma2 semaphore(%arg16 : memref<!tpu.dma_semaphore, #tpu.memory_space<semaphore_mem>>) src(%arg8 : memref<16x1024xf32, #tpu.memory_space<vmem>>) dst(%dma_wait3A_451 : memref<16x1024xf32, #tpu.memory_space<hbm>>)
        } else {
        }
        %mul3A_433 = arith.constant 16 : i32
        %mul3A_434 = arith.muli %add3A_180, %mul3A_433 : i32
        %add3A_435 = arith.addi %mul3A_2, %mul3A_434 : i32
        %dma_start3A_436 = arith.constant 1 : i32
        %dma_start3A_437 = arith.constant 0 : i32
        %dma_start3A_438 = tpu.memref_slice %arg2[%dma_start3A_436, %add3A_435, %dma_start3A_437] : memref<4x8192x1024xf32, #tpu.memory_space<hbm>> -> memref<1x16x1024xf32, #tpu.memory_space<hbm>>
        %dma_start3A_439 = tpu.memref_squeeze %dma_start3A_438 : memref<1x16x1024xf32, #tpu.memory_space<hbm>> -> memref<16x1024xf32, #tpu.memory_space<hbm>>
        %dma_start3A_440 = arith.constant 0 : i32
        %dma_start3A_441 = tpu.memref_slice %arg2[%dma_start3A_436, %add3A_435, %dma_start3A_440] : memref<4x8192x1024xf32, #tpu.memory_space<hbm>> -> memref<1x16x1024xf32, #tpu.memory_space<hbm>>
        %dma_start3A_442 = tpu.memref_squeeze %dma_start3A_441 : memref<1x16x1024xf32, #tpu.memory_space<hbm>> -> memref<16x1024xf32, #tpu.memory_space<hbm>>
        tpu.enqueue_dma source(%dma_start3A_442 : memref<16x1024xf32, #tpu.memory_space<hbm>>) target(%arg8 : memref<16x1024xf32, #tpu.memory_space<vmem>>) target_semaphore(%arg12 : memref<!tpu.dma_semaphore, #tpu.memory_space<semaphore_mem>>)
      } else {
      }
      %dma_wait3A_188 = arith.constant 0 : i32
      %dma_wait3A_189 = arith.constant 0 : i32
      %dma_wait3A_190 = arith.constant 0 : i32
      %dma_wait3A_191 = tpu.memref_slice %arg2[%dma_wait3A_188, %dma_wait3A_189, %dma_wait3A_190] : memref<4x8192x1024xf32, #tpu.memory_space<hbm>> -> memref<1x16x1024xf32, #tpu.memory_space<hbm>>
      %dma_wait3A_192 = tpu.memref_squeeze %dma_wait3A_191 : memref<1x16x1024xf32, #tpu.memory_space<hbm>> -> memref<16x1024xf32, #tpu.memory_space<hbm>>
      %dma_wait3A_193 = arith.constant 0 : i32
      %dma_wait3A_194 = arith.constant 0 : i32
      %dma_wait3A_195 = tpu.memref_slice %arg2[%dma_wait3A_188, %dma_wait3A_193, %dma_wait3A_194] : memref<4x8192x1024xf32, #tpu.memory_space<hbm>> -> memref<1x16x1024xf32, #tpu.memory_space<hbm>>
      %dma_wait3A_196 = tpu.memref_squeeze %dma_wait3A_195 : memref<1x16x1024xf32, #tpu.memory_space<hbm>> -> memref<16x1024xf32, #tpu.memory_space<hbm>>
      tpu.wait_dma2 semaphore(%arg13 : memref<!tpu.dma_semaphore, #tpu.memory_space<semaphore_mem>>) src(%dma_wait3A_196 : memref<16x1024xf32, #tpu.memory_space<hbm>>) dst(%arg9 : memref<16x1024xf32, #tpu.memory_space<vmem>>)
      %parallel_loop3A_197 = arith.constant 0 : i32
      %parallel_loop3A_198 = arith.constant 1024 : i32
      %parallel_loop3A_199 = arith.constant 1 : i32
      scf.for %parallel_loop3A_429 = %parallel_loop3A_197 to %parallel_loop3A_198 step %parallel_loop3A_199  : i32 {
        %parallel_loop3A_430 = arith.constant 64 : i32
        %parallel_loop3A_431 = arith.divsi %parallel_loop3A_429, %parallel_loop3A_430 : i32
        %parallel_loop3A_432 = arith.constant 0 : i32
        %parallel_loop3A_433 = arith.cmpi sgt, %parallel_loop3A_429, %parallel_loop3A_432 : i32
        %parallel_loop3A_434 = arith.extui %parallel_loop3A_433 : i1 to i32
        %parallel_loop3A_435 = arith.constant 0 : i32
        %parallel_loop3A_436 = arith.cmpi slt, %parallel_loop3A_429, %parallel_loop3A_435 : i32
        %parallel_loop3A_437 = arith.extui %parallel_loop3A_436 : i1 to i32
        %parallel_loop3A_438 = arith.subi %parallel_loop3A_434, %parallel_loop3A_437 : i32
        %parallel_loop3A_439 = arith.constant 0 : i32
        %parallel_loop3A_440 = arith.cmpi sgt, %parallel_loop3A_430, %parallel_loop3A_439 : i32
        %parallel_loop3A_441 = arith.extui %parallel_loop3A_440 : i1 to i32
        %parallel_loop3A_442 = arith.constant 0 : i32
        %parallel_loop3A_443 = arith.cmpi slt, %parallel_loop3A_430, %parallel_loop3A_442 : i32
        %parallel_loop3A_444 = arith.extui %parallel_loop3A_443 : i1 to i32
        %parallel_loop3A_445 = arith.subi %parallel_loop3A_441, %parallel_loop3A_444 : i32
        %parallel_loop3A_446 = arith.cmpi ne, %parallel_loop3A_438, %parallel_loop3A_445 : i32
        %parallel_loop3A_447 = arith.remsi %parallel_loop3A_429, %parallel_loop3A_430 : i32
        %parallel_loop3A_448 = arith.constant 0 : i32
        %parallel_loop3A_449 = arith.cmpi ne, %parallel_loop3A_447, %parallel_loop3A_448 : i32
        %parallel_loop3A_450 = arith.andi %parallel_loop3A_446, %parallel_loop3A_449 : i1
        %parallel_loop3A_451 = arith.constant 1 : i32
        %parallel_loop3A_452 = arith.subi %parallel_loop3A_431, %parallel_loop3A_451 : i32
        %parallel_loop3A_453 = arith.select %parallel_loop3A_450, %parallel_loop3A_452, %parallel_loop3A_431 : i32
        %parallel_loop3A_454 = arith.constant 64 : i32
        %parallel_loop3A_455 = arith.constant 0 : i32
        %parallel_loop3A_456 = arith.cmpi eq, %parallel_loop3A_454, %parallel_loop3A_455 : i32
        %parallel_loop3A_457 = arith.constant 1 : i32
        %parallel_loop3A_458 = arith.select %parallel_loop3A_456, %parallel_loop3A_457, %parallel_loop3A_454 : i32
        %parallel_loop3A_459 = arith.remsi %parallel_loop3A_429, %parallel_loop3A_458 : i32
        %parallel_loop3A_460 = arith.constant 0 : i32
        %parallel_loop3A_461 = arith.cmpi ne, %parallel_loop3A_459, %parallel_loop3A_460 : i32
        %parallel_loop3A_462 = arith.constant 0 : i32
        %parallel_loop3A_463 = arith.cmpi slt, %parallel_loop3A_459, %parallel_loop3A_462 : i32
        %parallel_loop3A_464 = arith.constant 0 : i32
        %parallel_loop3A_465 = arith.cmpi slt, %parallel_loop3A_458, %parallel_loop3A_464 : i32
        %parallel_loop3A_466 = arith.xori %parallel_loop3A_463, %parallel_loop3A_465 : i1
        %parallel_loop3A_467 = arith.andi %parallel_loop3A_466, %parallel_loop3A_461 : i1
        %parallel_loop3A_468 = arith.addi %parallel_loop3A_459, %parallel_loop3A_458 : i32
        %parallel_loop3A_469 = arith.select %parallel_loop3A_467, %parallel_loop3A_468, %parallel_loop3A_459 : i32
        %parallel_loop3A_470 = arith.constant 16 : i32
        %parallel_loop3A_471 = arith.muli %parallel_loop3A_469, %parallel_loop3A_470 : i32
        %parallel_loop3A_472 = arith.index_cast %parallel_loop3A_453 : i32 to index
        %parallel_loop3A_473 = arith.index_cast %parallel_loop3A_471 : i32 to index
        %parallel_loop3A_474 = tpu.vector_load %arg5[%parallel_loop3A_472, %parallel_loop3A_473] {strides = array<i32>} : memref<16x1024xf32, #tpu.memory_space<vmem>>, vector<1x16xf32>,
        %parallel_loop3A_475 = vector.shape_cast %parallel_loop3A_474 : vector<1x16xf32> to vector<16xf32>
        %parallel_loop3A_476 = arith.index_cast %parallel_loop3A_453 : i32 to index
        %parallel_loop3A_477 = arith.index_cast %parallel_loop3A_471 : i32 to index
        %parallel_loop3A_478 = tpu.vector_load %arg9[%parallel_loop3A_476, %parallel_loop3A_477] {strides = array<i32>} : memref<16x1024xf32, #tpu.memory_space<vmem>>, vector<1x16xf32>,
        %parallel_loop3A_479 = vector.shape_cast %parallel_loop3A_478 : vector<1x16xf32> to vector<16xf32>
        %parallel_loop3A_480 = vector.shape_cast %parallel_loop3A_475 : vector<16xf32> to vector<1x16xf32>
        tpu.vector_store %arg9[%parallel_loop3A_476, %parallel_loop3A_477], %parallel_loop3A_480 {add = true, strides = array<i32>} : memref<16x1024xf32, #tpu.memory_space<vmem>>, vector<1x16xf32>,
      } {sc.loop_unroll_factor = 8 : i64, sc.parallel_access}
      %mul3A_200 = arith.constant 16 : i32
      %mul3A_201 = arith.muli %add3A_176, %mul3A_200 : i32
      %add3A_202 = arith.addi %mul3A_2, %mul3A_201 : i32
      %dma_start3A_203 = arith.constant 2 : i32
      %dma_start3A_204 = arith.constant 0 : i32
      %dma_start3A_205 = tpu.memref_slice %arg4[%dma_start3A_203, %add3A_202, %dma_start3A_204] : memref<4x8192x1024xf32, #tpu.memory_space<hbm>> -> memref<1x16x1024xf32, #tpu.memory_space<hbm>>
      %dma_start3A_206 = tpu.memref_squeeze %dma_start3A_205 : memref<1x16x1024xf32, #tpu.memory_space<hbm>> -> memref<16x1024xf32, #tpu.memory_space<hbm>>
      %dma_start3A_207 = arith.constant 0 : i32
      %dma_start3A_208 = tpu.memref_slice %arg4[%dma_start3A_203, %add3A_202, %dma_start3A_207] : memref<4x8192x1024xf32, #tpu.memory_space<hbm>> -> memref<1x16x1024xf32, #tpu.memory_space<hbm>>
      %dma_start3A_209 = tpu.memref_squeeze %dma_start3A_208 : memref<1x16x1024xf32, #tpu.memory_space<hbm>> -> memref<16x1024xf32, #tpu.memory_space<hbm>>
      tpu.enqueue_dma source(%arg9 : memref<16x1024xf32, #tpu.memory_space<vmem>>) target(%dma_start3A_209 : memref<16x1024xf32, #tpu.memory_space<hbm>>) target_semaphore(%arg17 : memref<!tpu.dma_semaphore, #tpu.memory_space<semaphore_mem>>)
      %mul3A_210 = arith.constant 8 : i32
      %mul3A_211 = arith.muli %mul3A_210, %scan3A_76 : i32
      %add3A_212 = arith.constant 3 : i32
      %add3A_213 = arith.addi %mul3A_211, %add3A_212 : i32
      %mul3A_214 = arith.constant 2 : i32
      %mul3A_215 = arith.muli %mul3A_214, %scan3A_76 : i32
      %add3A_216 = arith.constant 0 : i32
      %add3A_217 = arith.addi %mul3A_215, %add3A_216 : i32
      %mul3A_218 = arith.constant 2 : i32
      %mul3A_219 = arith.muli %mul3A_218, %scan3A_76 : i32
      %add3A_220 = arith.constant 1 : i32
      %add3A_221 = arith.addi %mul3A_219, %add3A_220 : i32
      %add3A_222 = arith.constant 3 : i32
      %add3A_223 = arith.addi %add3A_213, %add3A_222 : i32
      %lt3A_224 = arith.constant 64 : i32
      %lt3A_225 = arith.cmpi slt, %add3A_223, %lt3A_224 : i32
      %convert_element_type3A_226 = arith.extui %lt3A_225 : i1 to i32
      %cond3A_227 = arith.constant 0 : i32
      %cond3A_228 = arith.cmpi ne, %convert_element_type3A_226, %cond3A_227 : i32
      scf.if %cond3A_228 {
        %ge3A = arith.constant 1 : i32
        %ge3A_429 = arith.cmpi sge, %add3A_213, %ge3A : i32
        %convert_element_type3A_430 = arith.extui %ge3A_429 : i1 to i32
        %cond3A_431 = arith.constant 0 : i32
        %cond3A_432 = arith.cmpi ne, %convert_element_type3A_430, %cond3A_431 : i32
        scf.if %cond3A_432 {
          %dma_wait3A_443 = arith.constant 0 : i32
          %dma_wait3A_444 = arith.constant 0 : i32
          %dma_wait3A_445 = arith.constant 0 : i32
          %dma_wait3A_446 = tpu.memref_slice %arg4[%dma_wait3A_443, %dma_wait3A_444, %dma_wait3A_445] : memref<4x8192x1024xf32, #tpu.memory_space<hbm>> -> memref<1x16x1024xf32, #tpu.memory_space<hbm>>
          %dma_wait3A_447 = tpu.memref_squeeze %dma_wait3A_446 : memref<1x16x1024xf32, #tpu.memory_space<hbm>> -> memref<16x1024xf32, #tpu.memory_space<hbm>>
          %dma_wait3A_448 = arith.constant 0 : i32
          %dma_wait3A_449 = arith.constant 0 : i32
          %dma_wait3A_450 = tpu.memref_slice %arg4[%dma_wait3A_443, %dma_wait3A_448, %dma_wait3A_449] : memref<4x8192x1024xf32, #tpu.memory_space<hbm>> -> memref<1x16x1024xf32, #tpu.memory_space<hbm>>
          %dma_wait3A_451 = tpu.memref_squeeze %dma_wait3A_450 : memref<1x16x1024xf32, #tpu.memory_space<hbm>> -> memref<16x1024xf32, #tpu.memory_space<hbm>>
          tpu.wait_dma2 semaphore(%arg17 : memref<!tpu.dma_semaphore, #tpu.memory_space<semaphore_mem>>) src(%arg9 : memref<16x1024xf32, #tpu.memory_space<vmem>>) dst(%dma_wait3A_451 : memref<16x1024xf32, #tpu.memory_space<hbm>>)
        } else {
        }
        %mul3A_433 = arith.constant 16 : i32
        %mul3A_434 = arith.muli %add3A_221, %mul3A_433 : i32
        %add3A_435 = arith.addi %mul3A_2, %mul3A_434 : i32
        %dma_start3A_436 = arith.constant 2 : i32
        %dma_start3A_437 = arith.constant 0 : i32
        %dma_start3A_438 = tpu.memref_slice %arg2[%dma_start3A_436, %add3A_435, %dma_start3A_437] : memref<4x8192x1024xf32, #tpu.memory_space<hbm>> -> memref<1x16x1024xf32, #tpu.memory_space<hbm>>
        %dma_start3A_439 = tpu.memref_squeeze %dma_start3A_438 : memref<1x16x1024xf32, #tpu.memory_space<hbm>> -> memref<16x1024xf32, #tpu.memory_space<hbm>>
        %dma_start3A_440 = arith.constant 0 : i32
        %dma_start3A_441 = tpu.memref_slice %arg2[%dma_start3A_436, %add3A_435, %dma_start3A_440] : memref<4x8192x1024xf32, #tpu.memory_space<hbm>> -> memref<1x16x1024xf32, #tpu.memory_space<hbm>>
        %dma_start3A_442 = tpu.memref_squeeze %dma_start3A_441 : memref<1x16x1024xf32, #tpu.memory_space<hbm>> -> memref<16x1024xf32, #tpu.memory_space<hbm>>
        tpu.enqueue_dma source(%dma_start3A_442 : memref<16x1024xf32, #tpu.memory_space<hbm>>) target(%arg9 : memref<16x1024xf32, #tpu.memory_space<vmem>>) target_semaphore(%arg13 : memref<!tpu.dma_semaphore, #tpu.memory_space<semaphore_mem>>)
      } else {
      }
      %dma_wait3A_229 = arith.constant 0 : i32
      %dma_wait3A_230 = arith.constant 0 : i32
      %dma_wait3A_231 = arith.constant 0 : i32
      %dma_wait3A_232 = tpu.memref_slice %arg2[%dma_wait3A_229, %dma_wait3A_230, %dma_wait3A_231] : memref<4x8192x1024xf32, #tpu.memory_space<hbm>> -> memref<1x16x1024xf32, #tpu.memory_space<hbm>>
      %dma_wait3A_233 = tpu.memref_squeeze %dma_wait3A_232 : memref<1x16x1024xf32, #tpu.memory_space<hbm>> -> memref<16x1024xf32, #tpu.memory_space<hbm>>
      %dma_wait3A_234 = arith.constant 0 : i32
      %dma_wait3A_235 = arith.constant 0 : i32
      %dma_wait3A_236 = tpu.memref_slice %arg2[%dma_wait3A_229, %dma_wait3A_234, %dma_wait3A_235] : memref<4x8192x1024xf32, #tpu.memory_space<hbm>> -> memref<1x16x1024xf32, #tpu.memory_space<hbm>>
      %dma_wait3A_237 = tpu.memref_squeeze %dma_wait3A_236 : memref<1x16x1024xf32, #tpu.memory_space<hbm>> -> memref<16x1024xf32, #tpu.memory_space<hbm>>
      tpu.wait_dma2 semaphore(%arg14 : memref<!tpu.dma_semaphore, #tpu.memory_space<semaphore_mem>>) src(%dma_wait3A_237 : memref<16x1024xf32, #tpu.memory_space<hbm>>) dst(%arg10 : memref<16x1024xf32, #tpu.memory_space<vmem>>)
      %parallel_loop3A_238 = arith.constant 0 : i32
      %parallel_loop3A_239 = arith.constant 1024 : i32
      %parallel_loop3A_240 = arith.constant 1 : i32
      scf.for %parallel_loop3A_429 = %parallel_loop3A_238 to %parallel_loop3A_239 step %parallel_loop3A_240  : i32 {
        %parallel_loop3A_430 = arith.constant 64 : i32
        %parallel_loop3A_431 = arith.divsi %parallel_loop3A_429, %parallel_loop3A_430 : i32
        %parallel_loop3A_432 = arith.constant 0 : i32
        %parallel_loop3A_433 = arith.cmpi sgt, %parallel_loop3A_429, %parallel_loop3A_432 : i32
        %parallel_loop3A_434 = arith.extui %parallel_loop3A_433 : i1 to i32
        %parallel_loop3A_435 = arith.constant 0 : i32
        %parallel_loop3A_436 = arith.cmpi slt, %parallel_loop3A_429, %parallel_loop3A_435 : i32
        %parallel_loop3A_437 = arith.extui %parallel_loop3A_436 : i1 to i32
        %parallel_loop3A_438 = arith.subi %parallel_loop3A_434, %parallel_loop3A_437 : i32
        %parallel_loop3A_439 = arith.constant 0 : i32
        %parallel_loop3A_440 = arith.cmpi sgt, %parallel_loop3A_430, %parallel_loop3A_439 : i32
        %parallel_loop3A_441 = arith.extui %parallel_loop3A_440 : i1 to i32
        %parallel_loop3A_442 = arith.constant 0 : i32
        %parallel_loop3A_443 = arith.cmpi slt, %parallel_loop3A_430, %parallel_loop3A_442 : i32
        %parallel_loop3A_444 = arith.extui %parallel_loop3A_443 : i1 to i32
        %parallel_loop3A_445 = arith.subi %parallel_loop3A_441, %parallel_loop3A_444 : i32
        %parallel_loop3A_446 = arith.cmpi ne, %parallel_loop3A_438, %parallel_loop3A_445 : i32
        %parallel_loop3A_447 = arith.remsi %parallel_loop3A_429, %parallel_loop3A_430 : i32
        %parallel_loop3A_448 = arith.constant 0 : i32
        %parallel_loop3A_449 = arith.cmpi ne, %parallel_loop3A_447, %parallel_loop3A_448 : i32
        %parallel_loop3A_450 = arith.andi %parallel_loop3A_446, %parallel_loop3A_449 : i1
        %parallel_loop3A_451 = arith.constant 1 : i32
        %parallel_loop3A_452 = arith.subi %parallel_loop3A_431, %parallel_loop3A_451 : i32
        %parallel_loop3A_453 = arith.select %parallel_loop3A_450, %parallel_loop3A_452, %parallel_loop3A_431 : i32
        %parallel_loop3A_454 = arith.constant 64 : i32
        %parallel_loop3A_455 = arith.constant 0 : i32
        %parallel_loop3A_456 = arith.cmpi eq, %parallel_loop3A_454, %parallel_loop3A_455 : i32
        %parallel_loop3A_457 = arith.constant 1 : i32
        %parallel_loop3A_458 = arith.select %parallel_loop3A_456, %parallel_loop3A_457, %parallel_loop3A_454 : i32
        %parallel_loop3A_459 = arith.remsi %parallel_loop3A_429, %parallel_loop3A_458 : i32
        %parallel_loop3A_460 = arith.constant 0 : i32
        %parallel_loop3A_461 = arith.cmpi ne, %parallel_loop3A_459, %parallel_loop3A_460 : i32
        %parallel_loop3A_462 = arith.constant 0 : i32
        %parallel_loop3A_463 = arith.cmpi slt, %parallel_loop3A_459, %parallel_loop3A_462 : i32
        %parallel_loop3A_464 = arith.constant 0 : i32
        %parallel_loop3A_465 = arith.cmpi slt, %parallel_loop3A_458, %parallel_loop3A_464 : i32
        %parallel_loop3A_466 = arith.xori %parallel_loop3A_463, %parallel_loop3A_465 : i1
        %parallel_loop3A_467 = arith.andi %parallel_loop3A_466, %parallel_loop3A_461 : i1
        %parallel_loop3A_468 = arith.addi %parallel_loop3A_459, %parallel_loop3A_458 : i32
        %parallel_loop3A_469 = arith.select %parallel_loop3A_467, %parallel_loop3A_468, %parallel_loop3A_459 : i32
        %parallel_loop3A_470 = arith.constant 16 : i32
        %parallel_loop3A_471 = arith.muli %parallel_loop3A_469, %parallel_loop3A_470 : i32
        %parallel_loop3A_472 = arith.index_cast %parallel_loop3A_453 : i32 to index
        %parallel_loop3A_473 = arith.index_cast %parallel_loop3A_471 : i32 to index
        %parallel_loop3A_474 = tpu.vector_load %arg5[%parallel_loop3A_472, %parallel_loop3A_473] {strides = array<i32>} : memref<16x1024xf32, #tpu.memory_space<vmem>>, vector<1x16xf32>,
        %parallel_loop3A_475 = vector.shape_cast %parallel_loop3A_474 : vector<1x16xf32> to vector<16xf32>
        %parallel_loop3A_476 = arith.index_cast %parallel_loop3A_453 : i32 to index
        %parallel_loop3A_477 = arith.index_cast %parallel_loop3A_471 : i32 to index
        %parallel_loop3A_478 = tpu.vector_load %arg10[%parallel_loop3A_476, %parallel_loop3A_477] {strides = array<i32>} : memref<16x1024xf32, #tpu.memory_space<vmem>>, vector<1x16xf32>,
        %parallel_loop3A_479 = vector.shape_cast %parallel_loop3A_478 : vector<1x16xf32> to vector<16xf32>
        %parallel_loop3A_480 = vector.shape_cast %parallel_loop3A_475 : vector<16xf32> to vector<1x16xf32>
        tpu.vector_store %arg10[%parallel_loop3A_476, %parallel_loop3A_477], %parallel_loop3A_480 {add = true, strides = array<i32>} : memref<16x1024xf32, #tpu.memory_space<vmem>>, vector<1x16xf32>,
      } {sc.loop_unroll_factor = 8 : i64, sc.parallel_access}
      %mul3A_241 = arith.constant 16 : i32
      %mul3A_242 = arith.muli %add3A_217, %mul3A_241 : i32
      %add3A_243 = arith.addi %mul3A_2, %mul3A_242 : i32
      %dma_start3A_244 = arith.constant 3 : i32
      %dma_start3A_245 = arith.constant 0 : i32
      %dma_start3A_246 = tpu.memref_slice %arg4[%dma_start3A_244, %add3A_243, %dma_start3A_245] : memref<4x8192x1024xf32, #tpu.memory_space<hbm>> -> memref<1x16x1024xf32, #tpu.memory_space<hbm>>
      %dma_start3A_247 = tpu.memref_squeeze %dma_start3A_246 : memref<1x16x1024xf32, #tpu.memory_space<hbm>> -> memref<16x1024xf32, #tpu.memory_space<hbm>>
      %dma_start3A_248 = arith.constant 0 : i32
      %dma_start3A_249 = tpu.memref_slice %arg4[%dma_start3A_244, %add3A_243, %dma_start3A_248] : memref<4x8192x1024xf32, #tpu.memory_space<hbm>> -> memref<1x16x1024xf32, #tpu.memory_space<hbm>>
      %dma_start3A_250 = tpu.memref_squeeze %dma_start3A_249 : memref<1x16x1024xf32, #tpu.memory_space<hbm>> -> memref<16x1024xf32, #tpu.memory_space<hbm>>
      tpu.enqueue_dma source(%arg10 : memref<16x1024xf32, #tpu.memory_space<vmem>>) target(%dma_start3A_250 : memref<16x1024xf32, #tpu.memory_space<hbm>>) target_semaphore(%arg18 : memref<!tpu.dma_semaphore, #tpu.memory_space<semaphore_mem>>)
      %mul3A_251 = arith.constant 8 : i32
      %mul3A_252 = arith.muli %mul3A_251, %scan3A_76 : i32
      %add3A_253 = arith.constant 4 : i32
      %add3A_254 = arith.addi %mul3A_252, %add3A_253 : i32
      %mul3A_255 = arith.constant 2 : i32
      %mul3A_256 = arith.muli %mul3A_255, %scan3A_76 : i32
      %add3A_257 = arith.constant 1 : i32
      %add3A_258 = arith.addi %mul3A_256, %add3A_257 : i32
      %add3A_259 = arith.constant 1 : i32
      %add3A_260 = arith.addi %add3A_258, %add3A_259 : i32
      %lt3A_261 = arith.constant 16 : i32
      %lt3A_262 = arith.cmpi slt, %add3A_260, %lt3A_261 : i32
      %convert_element_type3A_263 = arith.extui %lt3A_262 : i1 to i32
      %cond3A_264 = arith.constant 0 : i32
      %cond3A_265 = arith.cmpi ne, %convert_element_type3A_263, %cond3A_264 : i32
      scf.if %cond3A_265 {
        %add3A_429 = arith.constant 1 : i32
        %add3A_430 = arith.addi %add3A_258, %add3A_429 : i32
        %mul3A_431 = arith.constant 16 : i32
        %mul3A_432 = arith.muli %add3A_430, %mul3A_431 : i32
        %add3A_433 = arith.addi %mul3A_2, %mul3A_432 : i32
        %dma_start3A_434 = arith.constant 0 : i32
        %dma_start3A_435 = tpu.memref_slice %arg3[%add3A_433, %dma_start3A_434] : memref<8192x1024xf32, #tpu.memory_space<hbm>> -> memref<16x1024xf32, #tpu.memory_space<hbm>>
        %dma_start3A_436 = arith.constant 0 : i32
        %dma_start3A_437 = tpu.memref_slice %arg3[%add3A_433, %dma_start3A_436] : memref<8192x1024xf32, #tpu.memory_space<hbm>> -> memref<16x1024xf32, #tpu.memory_space<hbm>>
        tpu.enqueue_dma source(%dma_start3A_437 : memref<16x1024xf32, #tpu.memory_space<hbm>>) target(%arg5 : memref<16x1024xf32, #tpu.memory_space<vmem>>) target_semaphore(%arg19 : memref<!tpu.dma_semaphore, #tpu.memory_space<semaphore_mem>>)
      } else {
      }
      %dma_wait3A_266 = arith.constant 0 : i32
      %dma_wait3A_267 = arith.constant 0 : i32
      %dma_wait3A_268 = tpu.memref_slice %arg3[%dma_wait3A_266, %dma_wait3A_267] : memref<8192x1024xf32, #tpu.memory_space<hbm>> -> memref<16x1024xf32, #tpu.memory_space<hbm>>
      %dma_wait3A_269 = arith.constant 0 : i32
      %dma_wait3A_270 = arith.constant 0 : i32
      %dma_wait3A_271 = tpu.memref_slice %arg3[%dma_wait3A_269, %dma_wait3A_270] : memref<8192x1024xf32, #tpu.memory_space<hbm>> -> memref<16x1024xf32, #tpu.memory_space<hbm>>
      tpu.wait_dma2 semaphore(%arg20 : memref<!tpu.dma_semaphore, #tpu.memory_space<semaphore_mem>>) src(%dma_wait3A_271 : memref<16x1024xf32, #tpu.memory_space<hbm>>) dst(%arg6 : memref<16x1024xf32, #tpu.memory_space<vmem>>)
      %mul3A_272 = arith.constant 2 : i32
      %mul3A_273 = arith.muli %mul3A_272, %scan3A_76 : i32
      %add3A_274 = arith.constant 1 : i32
      %add3A_275 = arith.addi %mul3A_273, %add3A_274 : i32
      %add3A_276 = arith.constant 3 : i32
      %add3A_277 = arith.addi %add3A_254, %add3A_276 : i32
      %lt3A_278 = arith.constant 64 : i32
      %lt3A_279 = arith.cmpi slt, %add3A_277, %lt3A_278 : i32
      %convert_element_type3A_280 = arith.extui %lt3A_279 : i1 to i32
      %cond3A_281 = arith.constant 0 : i32
      %cond3A_282 = arith.cmpi ne, %convert_element_type3A_280, %cond3A_281 : i32
      scf.if %cond3A_282 {
        %ge3A = arith.constant 1 : i32
        %ge3A_429 = arith.cmpi sge, %add3A_254, %ge3A : i32
        %convert_element_type3A_430 = arith.extui %ge3A_429 : i1 to i32
        %cond3A_431 = arith.constant 0 : i32
        %cond3A_432 = arith.cmpi ne, %convert_element_type3A_430, %cond3A_431 : i32
        scf.if %cond3A_432 {
          %dma_wait3A_443 = arith.constant 0 : i32
          %dma_wait3A_444 = arith.constant 0 : i32
          %dma_wait3A_445 = arith.constant 0 : i32
          %dma_wait3A_446 = tpu.memref_slice %arg4[%dma_wait3A_443, %dma_wait3A_444, %dma_wait3A_445] : memref<4x8192x1024xf32, #tpu.memory_space<hbm>> -> memref<1x16x1024xf32, #tpu.memory_space<hbm>>
          %dma_wait3A_447 = tpu.memref_squeeze %dma_wait3A_446 : memref<1x16x1024xf32, #tpu.memory_space<hbm>> -> memref<16x1024xf32, #tpu.memory_space<hbm>>
          %dma_wait3A_448 = arith.constant 0 : i32
          %dma_wait3A_449 = arith.constant 0 : i32
          %dma_wait3A_450 = tpu.memref_slice %arg4[%dma_wait3A_443, %dma_wait3A_448, %dma_wait3A_449] : memref<4x8192x1024xf32, #tpu.memory_space<hbm>> -> memref<1x16x1024xf32, #tpu.memory_space<hbm>>
          %dma_wait3A_451 = tpu.memref_squeeze %dma_wait3A_450 : memref<1x16x1024xf32, #tpu.memory_space<hbm>> -> memref<16x1024xf32, #tpu.memory_space<hbm>>
          tpu.wait_dma2 semaphore(%arg18 : memref<!tpu.dma_semaphore, #tpu.memory_space<semaphore_mem>>) src(%arg10 : memref<16x1024xf32, #tpu.memory_space<vmem>>) dst(%dma_wait3A_451 : memref<16x1024xf32, #tpu.memory_space<hbm>>)
        } else {
        }
        %mul3A_433 = arith.constant 16 : i32
        %mul3A_434 = arith.muli %add3A_275, %mul3A_433 : i32
        %add3A_435 = arith.addi %mul3A_2, %mul3A_434 : i32
        %dma_start3A_436 = arith.constant 3 : i32
        %dma_start3A_437 = arith.constant 0 : i32
        %dma_start3A_438 = tpu.memref_slice %arg2[%dma_start3A_436, %add3A_435, %dma_start3A_437] : memref<4x8192x1024xf32, #tpu.memory_space<hbm>> -> memref<1x16x1024xf32, #tpu.memory_space<hbm>>
        %dma_start3A_439 = tpu.memref_squeeze %dma_start3A_438 : memref<1x16x1024xf32, #tpu.memory_space<hbm>> -> memref<16x1024xf32, #tpu.memory_space<hbm>>
        %dma_start3A_440 = arith.constant 0 : i32
        %dma_start3A_441 = tpu.memref_slice %arg2[%dma_start3A_436, %add3A_435, %dma_start3A_440] : memref<4x8192x1024xf32, #tpu.memory_space<hbm>> -> memref<1x16x1024xf32, #tpu.memory_space<hbm>>
        %dma_start3A_442 = tpu.memref_squeeze %dma_start3A_441 : memref<1x16x1024xf32, #tpu.memory_space<hbm>> -> memref<16x1024xf32, #tpu.memory_space<hbm>>
        tpu.enqueue_dma source(%dma_start3A_442 : memref<16x1024xf32, #tpu.memory_space<hbm>>) target(%arg10 : memref<16x1024xf32, #tpu.memory_space<vmem>>) target_semaphore(%arg14 : memref<!tpu.dma_semaphore, #tpu.memory_space<semaphore_mem>>)
      } else {
      }
      %dma_wait3A_283 = arith.constant 0 : i32
      %dma_wait3A_284 = arith.constant 0 : i32
      %dma_wait3A_285 = arith.constant 0 : i32
      %dma_wait3A_286 = tpu.memref_slice %arg2[%dma_wait3A_283, %dma_wait3A_284, %dma_wait3A_285] : memref<4x8192x1024xf32, #tpu.memory_space<hbm>> -> memref<1x16x1024xf32, #tpu.memory_space<hbm>>
      %dma_wait3A_287 = tpu.memref_squeeze %dma_wait3A_286 : memref<1x16x1024xf32, #tpu.memory_space<hbm>> -> memref<16x1024xf32, #tpu.memory_space<hbm>>
      %dma_wait3A_288 = arith.constant 0 : i32
      %dma_wait3A_289 = arith.constant 0 : i32
      %dma_wait3A_290 = tpu.memref_slice %arg2[%dma_wait3A_283, %dma_wait3A_288, %dma_wait3A_289] : memref<4x8192x1024xf32, #tpu.memory_space<hbm>> -> memref<1x16x1024xf32, #tpu.memory_space<hbm>>
      %dma_wait3A_291 = tpu.memref_squeeze %dma_wait3A_290 : memref<1x16x1024xf32, #tpu.memory_space<hbm>> -> memref<16x1024xf32, #tpu.memory_space<hbm>>
      tpu.wait_dma2 semaphore(%arg11 : memref<!tpu.dma_semaphore, #tpu.memory_space<semaphore_mem>>) src(%dma_wait3A_291 : memref<16x1024xf32, #tpu.memory_space<hbm>>) dst(%arg7 : memref<16x1024xf32, #tpu.memory_space<vmem>>)
      %parallel_loop3A_292 = arith.constant 0 : i32
      %parallel_loop3A_293 = arith.constant 1024 : i32
      %parallel_loop3A_294 = arith.constant 1 : i32
      scf.for %parallel_loop3A_429 = %parallel_loop3A_292 to %parallel_loop3A_293 step %parallel_loop3A_294  : i32 {
        %parallel_loop3A_430 = arith.constant 64 : i32
        %parallel_loop3A_431 = arith.divsi %parallel_loop3A_429, %parallel_loop3A_430 : i32
        %parallel_loop3A_432 = arith.constant 0 : i32
        %parallel_loop3A_433 = arith.cmpi sgt, %parallel_loop3A_429, %parallel_loop3A_432 : i32
        %parallel_loop3A_434 = arith.extui %parallel_loop3A_433 : i1 to i32
        %parallel_loop3A_435 = arith.constant 0 : i32
        %parallel_loop3A_436 = arith.cmpi slt, %parallel_loop3A_429, %parallel_loop3A_435 : i32
        %parallel_loop3A_437 = arith.extui %parallel_loop3A_436 : i1 to i32
        %parallel_loop3A_438 = arith.subi %parallel_loop3A_434, %parallel_loop3A_437 : i32
        %parallel_loop3A_439 = arith.constant 0 : i32
        %parallel_loop3A_440 = arith.cmpi sgt, %parallel_loop3A_430, %parallel_loop3A_439 : i32
        %parallel_loop3A_441 = arith.extui %parallel_loop3A_440 : i1 to i32
        %parallel_loop3A_442 = arith.constant 0 : i32
        %parallel_loop3A_443 = arith.cmpi slt, %parallel_loop3A_430, %parallel_loop3A_442 : i32
        %parallel_loop3A_444 = arith.extui %parallel_loop3A_443 : i1 to i32
        %parallel_loop3A_445 = arith.subi %parallel_loop3A_441, %parallel_loop3A_444 : i32
        %parallel_loop3A_446 = arith.cmpi ne, %parallel_loop3A_438, %parallel_loop3A_445 : i32
        %parallel_loop3A_447 = arith.remsi %parallel_loop3A_429, %parallel_loop3A_430 : i32
        %parallel_loop3A_448 = arith.constant 0 : i32
        %parallel_loop3A_449 = arith.cmpi ne, %parallel_loop3A_447, %parallel_loop3A_448 : i32
        %parallel_loop3A_450 = arith.andi %parallel_loop3A_446, %parallel_loop3A_449 : i1
        %parallel_loop3A_451 = arith.constant 1 : i32
        %parallel_loop3A_452 = arith.subi %parallel_loop3A_431, %parallel_loop3A_451 : i32
        %parallel_loop3A_453 = arith.select %parallel_loop3A_450, %parallel_loop3A_452, %parallel_loop3A_431 : i32
        %parallel_loop3A_454 = arith.constant 64 : i32
        %parallel_loop3A_455 = arith.constant 0 : i32
        %parallel_loop3A_456 = arith.cmpi eq, %parallel_loop3A_454, %parallel_loop3A_455 : i32
        %parallel_loop3A_457 = arith.constant 1 : i32
        %parallel_loop3A_458 = arith.select %parallel_loop3A_456, %parallel_loop3A_457, %parallel_loop3A_454 : i32
        %parallel_loop3A_459 = arith.remsi %parallel_loop3A_429, %parallel_loop3A_458 : i32
        %parallel_loop3A_460 = arith.constant 0 : i32
        %parallel_loop3A_461 = arith.cmpi ne, %parallel_loop3A_459, %parallel_loop3A_460 : i32
        %parallel_loop3A_462 = arith.constant 0 : i32
        %parallel_loop3A_463 = arith.cmpi slt, %parallel_loop3A_459, %parallel_loop3A_462 : i32
        %parallel_loop3A_464 = arith.constant 0 : i32
        %parallel_loop3A_465 = arith.cmpi slt, %parallel_loop3A_458, %parallel_loop3A_464 : i32
        %parallel_loop3A_466 = arith.xori %parallel_loop3A_463, %parallel_loop3A_465 : i1
        %parallel_loop3A_467 = arith.andi %parallel_loop3A_466, %parallel_loop3A_461 : i1
        %parallel_loop3A_468 = arith.addi %parallel_loop3A_459, %parallel_loop3A_458 : i32
        %parallel_loop3A_469 = arith.select %parallel_loop3A_467, %parallel_loop3A_468, %parallel_loop3A_459 : i32
        %parallel_loop3A_470 = arith.constant 16 : i32
        %parallel_loop3A_471 = arith.muli %parallel_loop3A_469, %parallel_loop3A_470 : i32
        %parallel_loop3A_472 = arith.index_cast %parallel_loop3A_453 : i32 to index
        %parallel_loop3A_473 = arith.index_cast %parallel_loop3A_471 : i32 to index
        %parallel_loop3A_474 = tpu.vector_load %arg6[%parallel_loop3A_472, %parallel_loop3A_473] {strides = array<i32>} : memref<16x1024xf32, #tpu.memory_space<vmem>>, vector<1x16xf32>,
        %parallel_loop3A_475 = vector.shape_cast %parallel_loop3A_474 : vector<1x16xf32> to vector<16xf32>
        %parallel_loop3A_476 = arith.index_cast %parallel_loop3A_453 : i32 to index
        %parallel_loop3A_477 = arith.index_cast %parallel_loop3A_471 : i32 to index
        %parallel_loop3A_478 = tpu.vector_load %arg7[%parallel_loop3A_476, %parallel_loop3A_477] {strides = array<i32>} : memref<16x1024xf32, #tpu.memory_space<vmem>>, vector<1x16xf32>,
        %parallel_loop3A_479 = vector.shape_cast %parallel_loop3A_478 : vector<1x16xf32> to vector<16xf32>
        %parallel_loop3A_480 = vector.shape_cast %parallel_loop3A_475 : vector<16xf32> to vector<1x16xf32>
        tpu.vector_store %arg7[%parallel_loop3A_476, %parallel_loop3A_477], %parallel_loop3A_480 {add = true, strides = array<i32>} : memref<16x1024xf32, #tpu.memory_space<vmem>>, vector<1x16xf32>,
      } {sc.loop_unroll_factor = 8 : i64, sc.parallel_access}
      %mul3A_295 = arith.constant 16 : i32
      %mul3A_296 = arith.muli %add3A_258, %mul3A_295 : i32
      %add3A_297 = arith.addi %mul3A_2, %mul3A_296 : i32
      %dma_start3A_298 = arith.constant 0 : i32
      %dma_start3A_299 = arith.constant 0 : i32
      %dma_start3A_300 = tpu.memref_slice %arg4[%dma_start3A_298, %add3A_297, %dma_start3A_299] : memref<4x8192x1024xf32, #tpu.memory_space<hbm>> -> memref<1x16x1024xf32, #tpu.memory_space<hbm>>
      %dma_start3A_301 = tpu.memref_squeeze %dma_start3A_300 : memref<1x16x1024xf32, #tpu.memory_space<hbm>> -> memref<16x1024xf32, #tpu.memory_space<hbm>>
      %dma_start3A_302 = arith.constant 0 : i32
      %dma_start3A_303 = tpu.memref_slice %arg4[%dma_start3A_298, %add3A_297, %dma_start3A_302] : memref<4x8192x1024xf32, #tpu.memory_space<hbm>> -> memref<1x16x1024xf32, #tpu.memory_space<hbm>>
      %dma_start3A_304 = tpu.memref_squeeze %dma_start3A_303 : memref<1x16x1024xf32, #tpu.memory_space<hbm>> -> memref<16x1024xf32, #tpu.memory_space<hbm>>
      tpu.enqueue_dma source(%arg7 : memref<16x1024xf32, #tpu.memory_space<vmem>>) target(%dma_start3A_304 : memref<16x1024xf32, #tpu.memory_space<hbm>>) target_semaphore(%arg15 : memref<!tpu.dma_semaphore, #tpu.memory_space<semaphore_mem>>)
      %mul3A_305 = arith.constant 8 : i32
      %mul3A_306 = arith.muli %mul3A_305, %scan3A_76 : i32
      %add3A_307 = arith.constant 5 : i32
      %add3A_308 = arith.addi %mul3A_306, %add3A_307 : i32
      %mul3A_309 = arith.constant 2 : i32
      %mul3A_310 = arith.muli %mul3A_309, %scan3A_76 : i32
      %add3A_311 = arith.constant 1 : i32
      %add3A_312 = arith.addi %mul3A_310, %add3A_311 : i32
      %mul3A_313 = arith.constant 2 : i32
      %mul3A_314 = arith.muli %mul3A_313, %scan3A_76 : i32
      %add3A_315 = arith.constant 2 : i32
      %add3A_316 = arith.addi %mul3A_314, %add3A_315 : i32
      %add3A_317 = arith.constant 3 : i32
      %add3A_318 = arith.addi %add3A_308, %add3A_317 : i32
      %lt3A_319 = arith.constant 64 : i32
      %lt3A_320 = arith.cmpi slt, %add3A_318, %lt3A_319 : i32
      %convert_element_type3A_321 = arith.extui %lt3A_320 : i1 to i32
      %cond3A_322 = arith.constant 0 : i32
      %cond3A_323 = arith.cmpi ne, %convert_element_type3A_321, %cond3A_322 : i32
      scf.if %cond3A_323 {
        %ge3A = arith.constant 1 : i32
        %ge3A_429 = arith.cmpi sge, %add3A_308, %ge3A : i32
        %convert_element_type3A_430 = arith.extui %ge3A_429 : i1 to i32
        %cond3A_431 = arith.constant 0 : i32
        %cond3A_432 = arith.cmpi ne, %convert_element_type3A_430, %cond3A_431 : i32
        scf.if %cond3A_432 {
          %dma_wait3A_443 = arith.constant 0 : i32
          %dma_wait3A_444 = arith.constant 0 : i32
          %dma_wait3A_445 = arith.constant 0 : i32
          %dma_wait3A_446 = tpu.memref_slice %arg4[%dma_wait3A_443, %dma_wait3A_444, %dma_wait3A_445] : memref<4x8192x1024xf32, #tpu.memory_space<hbm>> -> memref<1x16x1024xf32, #tpu.memory_space<hbm>>
          %dma_wait3A_447 = tpu.memref_squeeze %dma_wait3A_446 : memref<1x16x1024xf32, #tpu.memory_space<hbm>> -> memref<16x1024xf32, #tpu.memory_space<hbm>>
          %dma_wait3A_448 = arith.constant 0 : i32
          %dma_wait3A_449 = arith.constant 0 : i32
          %dma_wait3A_450 = tpu.memref_slice %arg4[%dma_wait3A_443, %dma_wait3A_448, %dma_wait3A_449] : memref<4x8192x1024xf32, #tpu.memory_space<hbm>> -> memref<1x16x1024xf32, #tpu.memory_space<hbm>>
          %dma_wait3A_451 = tpu.memref_squeeze %dma_wait3A_450 : memref<1x16x1024xf32, #tpu.memory_space<hbm>> -> memref<16x1024xf32, #tpu.memory_space<hbm>>
          tpu.wait_dma2 semaphore(%arg15 : memref<!tpu.dma_semaphore, #tpu.memory_space<semaphore_mem>>) src(%arg7 : memref<16x1024xf32, #tpu.memory_space<vmem>>) dst(%dma_wait3A_451 : memref<16x1024xf32, #tpu.memory_space<hbm>>)
        } else {
        }
        %mul3A_433 = arith.constant 16 : i32
        %mul3A_434 = arith.muli %add3A_316, %mul3A_433 : i32
        %add3A_435 = arith.addi %mul3A_2, %mul3A_434 : i32
        %dma_start3A_436 = arith.constant 0 : i32
        %dma_start3A_437 = arith.constant 0 : i32
        %dma_start3A_438 = tpu.memref_slice %arg2[%dma_start3A_436, %add3A_435, %dma_start3A_437] : memref<4x8192x1024xf32, #tpu.memory_space<hbm>> -> memref<1x16x1024xf32, #tpu.memory_space<hbm>>
        %dma_start3A_439 = tpu.memref_squeeze %dma_start3A_438 : memref<1x16x1024xf32, #tpu.memory_space<hbm>> -> memref<16x1024xf32, #tpu.memory_space<hbm>>
        %dma_start3A_440 = arith.constant 0 : i32
        %dma_start3A_441 = tpu.memref_slice %arg2[%dma_start3A_436, %add3A_435, %dma_start3A_440] : memref<4x8192x1024xf32, #tpu.memory_space<hbm>> -> memref<1x16x1024xf32, #tpu.memory_space<hbm>>
        %dma_start3A_442 = tpu.memref_squeeze %dma_start3A_441 : memref<1x16x1024xf32, #tpu.memory_space<hbm>> -> memref<16x1024xf32, #tpu.memory_space<hbm>>
        tpu.enqueue_dma source(%dma_start3A_442 : memref<16x1024xf32, #tpu.memory_space<hbm>>) target(%arg7 : memref<16x1024xf32, #tpu.memory_space<vmem>>) target_semaphore(%arg11 : memref<!tpu.dma_semaphore, #tpu.memory_space<semaphore_mem>>)
      } else {
      }
      %dma_wait3A_324 = arith.constant 0 : i32
      %dma_wait3A_325 = arith.constant 0 : i32
      %dma_wait3A_326 = arith.constant 0 : i32
      %dma_wait3A_327 = tpu.memref_slice %arg2[%dma_wait3A_324, %dma_wait3A_325, %dma_wait3A_326] : memref<4x8192x1024xf32, #tpu.memory_space<hbm>> -> memref<1x16x1024xf32, #tpu.memory_space<hbm>>
      %dma_wait3A_328 = tpu.memref_squeeze %dma_wait3A_327 : memref<1x16x1024xf32, #tpu.memory_space<hbm>> -> memref<16x1024xf32, #tpu.memory_space<hbm>>
      %dma_wait3A_329 = arith.constant 0 : i32
      %dma_wait3A_330 = arith.constant 0 : i32
      %dma_wait3A_331 = tpu.memref_slice %arg2[%dma_wait3A_324, %dma_wait3A_329, %dma_wait3A_330] : memref<4x8192x1024xf32, #tpu.memory_space<hbm>> -> memref<1x16x1024xf32, #tpu.memory_space<hbm>>
      %dma_wait3A_332 = tpu.memref_squeeze %dma_wait3A_331 : memref<1x16x1024xf32, #tpu.memory_space<hbm>> -> memref<16x1024xf32, #tpu.memory_space<hbm>>
      tpu.wait_dma2 semaphore(%arg12 : memref<!tpu.dma_semaphore, #tpu.memory_space<semaphore_mem>>) src(%dma_wait3A_332 : memref<16x1024xf32, #tpu.memory_space<hbm>>) dst(%arg8 : memref<16x1024xf32, #tpu.memory_space<vmem>>)
      %parallel_loop3A_333 = arith.constant 0 : i32
      %parallel_loop3A_334 = arith.constant 1024 : i32
      %parallel_loop3A_335 = arith.constant 1 : i32
      scf.for %parallel_loop3A_429 = %parallel_loop3A_333 to %parallel_loop3A_334 step %parallel_loop3A_335  : i32 {
        %parallel_loop3A_430 = arith.constant 64 : i32
        %parallel_loop3A_431 = arith.divsi %parallel_loop3A_429, %parallel_loop3A_430 : i32
        %parallel_loop3A_432 = arith.constant 0 : i32
        %parallel_loop3A_433 = arith.cmpi sgt, %parallel_loop3A_429, %parallel_loop3A_432 : i32
        %parallel_loop3A_434 = arith.extui %parallel_loop3A_433 : i1 to i32
        %parallel_loop3A_435 = arith.constant 0 : i32
        %parallel_loop3A_436 = arith.cmpi slt, %parallel_loop3A_429, %parallel_loop3A_435 : i32
        %parallel_loop3A_437 = arith.extui %parallel_loop3A_436 : i1 to i32
        %parallel_loop3A_438 = arith.subi %parallel_loop3A_434, %parallel_loop3A_437 : i32
        %parallel_loop3A_439 = arith.constant 0 : i32
        %parallel_loop3A_440 = arith.cmpi sgt, %parallel_loop3A_430, %parallel_loop3A_439 : i32
        %parallel_loop3A_441 = arith.extui %parallel_loop3A_440 : i1 to i32
        %parallel_loop3A_442 = arith.constant 0 : i32
        %parallel_loop3A_443 = arith.cmpi slt, %parallel_loop3A_430, %parallel_loop3A_442 : i32
        %parallel_loop3A_444 = arith.extui %parallel_loop3A_443 : i1 to i32
        %parallel_loop3A_445 = arith.subi %parallel_loop3A_441, %parallel_loop3A_444 : i32
        %parallel_loop3A_446 = arith.cmpi ne, %parallel_loop3A_438, %parallel_loop3A_445 : i32
        %parallel_loop3A_447 = arith.remsi %parallel_loop3A_429, %parallel_loop3A_430 : i32
        %parallel_loop3A_448 = arith.constant 0 : i32
        %parallel_loop3A_449 = arith.cmpi ne, %parallel_loop3A_447, %parallel_loop3A_448 : i32
        %parallel_loop3A_450 = arith.andi %parallel_loop3A_446, %parallel_loop3A_449 : i1
        %parallel_loop3A_451 = arith.constant 1 : i32
        %parallel_loop3A_452 = arith.subi %parallel_loop3A_431, %parallel_loop3A_451 : i32
        %parallel_loop3A_453 = arith.select %parallel_loop3A_450, %parallel_loop3A_452, %parallel_loop3A_431 : i32
        %parallel_loop3A_454 = arith.constant 64 : i32
        %parallel_loop3A_455 = arith.constant 0 : i32
        %parallel_loop3A_456 = arith.cmpi eq, %parallel_loop3A_454, %parallel_loop3A_455 : i32
        %parallel_loop3A_457 = arith.constant 1 : i32
        %parallel_loop3A_458 = arith.select %parallel_loop3A_456, %parallel_loop3A_457, %parallel_loop3A_454 : i32
        %parallel_loop3A_459 = arith.remsi %parallel_loop3A_429, %parallel_loop3A_458 : i32
        %parallel_loop3A_460 = arith.constant 0 : i32
        %parallel_loop3A_461 = arith.cmpi ne, %parallel_loop3A_459, %parallel_loop3A_460 : i32
        %parallel_loop3A_462 = arith.constant 0 : i32
        %parallel_loop3A_463 = arith.cmpi slt, %parallel_loop3A_459, %parallel_loop3A_462 : i32
        %parallel_loop3A_464 = arith.constant 0 : i32
        %parallel_loop3A_465 = arith.cmpi slt, %parallel_loop3A_458, %parallel_loop3A_464 : i32
        %parallel_loop3A_466 = arith.xori %parallel_loop3A_463, %parallel_loop3A_465 : i1
        %parallel_loop3A_467 = arith.andi %parallel_loop3A_466, %parallel_loop3A_461 : i1
        %parallel_loop3A_468 = arith.addi %parallel_loop3A_459, %parallel_loop3A_458 : i32
        %parallel_loop3A_469 = arith.select %parallel_loop3A_467, %parallel_loop3A_468, %parallel_loop3A_459 : i32
        %parallel_loop3A_470 = arith.constant 16 : i32
        %parallel_loop3A_471 = arith.muli %parallel_loop3A_469, %parallel_loop3A_470 : i32
        %parallel_loop3A_472 = arith.index_cast %parallel_loop3A_453 : i32 to index
        %parallel_loop3A_473 = arith.index_cast %parallel_loop3A_471 : i32 to index
        %parallel_loop3A_474 = tpu.vector_load %arg6[%parallel_loop3A_472, %parallel_loop3A_473] {strides = array<i32>} : memref<16x1024xf32, #tpu.memory_space<vmem>>, vector<1x16xf32>,
        %parallel_loop3A_475 = vector.shape_cast %parallel_loop3A_474 : vector<1x16xf32> to vector<16xf32>
        %parallel_loop3A_476 = arith.index_cast %parallel_loop3A_453 : i32 to index
        %parallel_loop3A_477 = arith.index_cast %parallel_loop3A_471 : i32 to index
        %parallel_loop3A_478 = tpu.vector_load %arg8[%parallel_loop3A_476, %parallel_loop3A_477] {strides = array<i32>} : memref<16x1024xf32, #tpu.memory_space<vmem>>, vector<1x16xf32>,
        %parallel_loop3A_479 = vector.shape_cast %parallel_loop3A_478 : vector<1x16xf32> to vector<16xf32>
        %parallel_loop3A_480 = vector.shape_cast %parallel_loop3A_475 : vector<16xf32> to vector<1x16xf32>
        tpu.vector_store %arg8[%parallel_loop3A_476, %parallel_loop3A_477], %parallel_loop3A_480 {add = true, strides = array<i32>} : memref<16x1024xf32, #tpu.memory_space<vmem>>, vector<1x16xf32>,
      } {sc.loop_unroll_factor = 8 : i64, sc.parallel_access}
      %mul3A_336 = arith.constant 16 : i32
      %mul3A_337 = arith.muli %add3A_312, %mul3A_336 : i32
      %add3A_338 = arith.addi %mul3A_2, %mul3A_337 : i32
      %dma_start3A_339 = arith.constant 1 : i32
      %dma_start3A_340 = arith.constant 0 : i32
      %dma_start3A_341 = tpu.memref_slice %arg4[%dma_start3A_339, %add3A_338, %dma_start3A_340] : memref<4x8192x1024xf32, #tpu.memory_space<hbm>> -> memref<1x16x1024xf32, #tpu.memory_space<hbm>>
      %dma_start3A_342 = tpu.memref_squeeze %dma_start3A_341 : memref<1x16x1024xf32, #tpu.memory_space<hbm>> -> memref<16x1024xf32, #tpu.memory_space<hbm>>
      %dma_start3A_343 = arith.constant 0 : i32
      %dma_start3A_344 = tpu.memref_slice %arg4[%dma_start3A_339, %add3A_338, %dma_start3A_343] : memref<4x8192x1024xf32, #tpu.memory_space<hbm>> -> memref<1x16x1024xf32, #tpu.memory_space<hbm>>
      %dma_start3A_345 = tpu.memref_squeeze %dma_start3A_344 : memref<1x16x1024xf32, #tpu.memory_space<hbm>> -> memref<16x1024xf32, #tpu.memory_space<hbm>>
      tpu.enqueue_dma source(%arg8 : memref<16x1024xf32, #tpu.memory_space<vmem>>) target(%dma_start3A_345 : memref<16x1024xf32, #tpu.memory_space<hbm>>) target_semaphore(%arg16 : memref<!tpu.dma_semaphore, #tpu.memory_space<semaphore_mem>>)
      %mul3A_346 = arith.constant 8 : i32
      %mul3A_347 = arith.muli %mul3A_346, %scan3A_76 : i32
      %add3A_348 = arith.constant 6 : i32
      %add3A_349 = arith.addi %mul3A_347, %add3A_348 : i32
      %mul3A_350 = arith.constant 2 : i32
      %mul3A_351 = arith.muli %mul3A_350, %scan3A_76 : i32
      %add3A_352 = arith.constant 1 : i32
      %add3A_353 = arith.addi %mul3A_351, %add3A_352 : i32
      %mul3A_354 = arith.constant 2 : i32
      %mul3A_355 = arith.muli %mul3A_354, %scan3A_76 : i32
      %add3A_356 = arith.constant 2 : i32
      %add3A_357 = arith.addi %mul3A_355, %add3A_356 : i32
      %add3A_358 = arith.constant 3 : i32
      %add3A_359 = arith.addi %add3A_349, %add3A_358 : i32
      %lt3A_360 = arith.constant 64 : i32
      %lt3A_361 = arith.cmpi slt, %add3A_359, %lt3A_360 : i32
      %convert_element_type3A_362 = arith.extui %lt3A_361 : i1 to i32
      %cond3A_363 = arith.constant 0 : i32
      %cond3A_364 = arith.cmpi ne, %convert_element_type3A_362, %cond3A_363 : i32
      scf.if %cond3A_364 {
        %ge3A = arith.constant 1 : i32
        %ge3A_429 = arith.cmpi sge, %add3A_349, %ge3A : i32
        %convert_element_type3A_430 = arith.extui %ge3A_429 : i1 to i32
        %cond3A_431 = arith.constant 0 : i32
        %cond3A_432 = arith.cmpi ne, %convert_element_type3A_430, %cond3A_431 : i32
        scf.if %cond3A_432 {
          %dma_wait3A_443 = arith.constant 0 : i32
          %dma_wait3A_444 = arith.constant 0 : i32
          %dma_wait3A_445 = arith.constant 0 : i32
          %dma_wait3A_446 = tpu.memref_slice %arg4[%dma_wait3A_443, %dma_wait3A_444, %dma_wait3A_445] : memref<4x8192x1024xf32, #tpu.memory_space<hbm>> -> memref<1x16x1024xf32, #tpu.memory_space<hbm>>
          %dma_wait3A_447 = tpu.memref_squeeze %dma_wait3A_446 : memref<1x16x1024xf32, #tpu.memory_space<hbm>> -> memref<16x1024xf32, #tpu.memory_space<hbm>>
          %dma_wait3A_448 = arith.constant 0 : i32
          %dma_wait3A_449 = arith.constant 0 : i32
          %dma_wait3A_450 = tpu.memref_slice %arg4[%dma_wait3A_443, %dma_wait3A_448, %dma_wait3A_449] : memref<4x8192x1024xf32, #tpu.memory_space<hbm>> -> memref<1x16x1024xf32, #tpu.memory_space<hbm>>
          %dma_wait3A_451 = tpu.memref_squeeze %dma_wait3A_450 : memref<1x16x1024xf32, #tpu.memory_space<hbm>> -> memref<16x1024xf32, #tpu.memory_space<hbm>>
          tpu.wait_dma2 semaphore(%arg16 : memref<!tpu.dma_semaphore, #tpu.memory_space<semaphore_mem>>) src(%arg8 : memref<16x1024xf32, #tpu.memory_space<vmem>>) dst(%dma_wait3A_451 : memref<16x1024xf32, #tpu.memory_space<hbm>>)
        } else {
        }
        %mul3A_433 = arith.constant 16 : i32
        %mul3A_434 = arith.muli %add3A_357, %mul3A_433 : i32
        %add3A_435 = arith.addi %mul3A_2, %mul3A_434 : i32
        %dma_start3A_436 = arith.constant 1 : i32
        %dma_start3A_437 = arith.constant 0 : i32
        %dma_start3A_438 = tpu.memref_slice %arg2[%dma_start3A_436, %add3A_435, %dma_start3A_437] : memref<4x8192x1024xf32, #tpu.memory_space<hbm>> -> memref<1x16x1024xf32, #tpu.memory_space<hbm>>
        %dma_start3A_439 = tpu.memref_squeeze %dma_start3A_438 : memref<1x16x1024xf32, #tpu.memory_space<hbm>> -> memref<16x1024xf32, #tpu.memory_space<hbm>>
        %dma_start3A_440 = arith.constant 0 : i32
        %dma_start3A_441 = tpu.memref_slice %arg2[%dma_start3A_436, %add3A_435, %dma_start3A_440] : memref<4x8192x1024xf32, #tpu.memory_space<hbm>> -> memref<1x16x1024xf32, #tpu.memory_space<hbm>>
        %dma_start3A_442 = tpu.memref_squeeze %dma_start3A_441 : memref<1x16x1024xf32, #tpu.memory_space<hbm>> -> memref<16x1024xf32, #tpu.memory_space<hbm>>
        tpu.enqueue_dma source(%dma_start3A_442 : memref<16x1024xf32, #tpu.memory_space<hbm>>) target(%arg8 : memref<16x1024xf32, #tpu.memory_space<vmem>>) target_semaphore(%arg12 : memref<!tpu.dma_semaphore, #tpu.memory_space<semaphore_mem>>)
      } else {
      }
      %dma_wait3A_365 = arith.constant 0 : i32
      %dma_wait3A_366 = arith.constant 0 : i32
      %dma_wait3A_367 = arith.constant 0 : i32
      %dma_wait3A_368 = tpu.memref_slice %arg2[%dma_wait3A_365, %dma_wait3A_366, %dma_wait3A_367] : memref<4x8192x1024xf32, #tpu.memory_space<hbm>> -> memref<1x16x1024xf32, #tpu.memory_space<hbm>>
      %dma_wait3A_369 = tpu.memref_squeeze %dma_wait3A_368 : memref<1x16x1024xf32, #tpu.memory_space<hbm>> -> memref<16x1024xf32, #tpu.memory_space<hbm>>
      %dma_wait3A_370 = arith.constant 0 : i32
      %dma_wait3A_371 = arith.constant 0 : i32
      %dma_wait3A_372 = tpu.memref_slice %arg2[%dma_wait3A_365, %dma_wait3A_370, %dma_wait3A_371] : memref<4x8192x1024xf32, #tpu.memory_space<hbm>> -> memref<1x16x1024xf32, #tpu.memory_space<hbm>>
      %dma_wait3A_373 = tpu.memref_squeeze %dma_wait3A_372 : memref<1x16x1024xf32, #tpu.memory_space<hbm>> -> memref<16x1024xf32, #tpu.memory_space<hbm>>
      tpu.wait_dma2 semaphore(%arg13 : memref<!tpu.dma_semaphore, #tpu.memory_space<semaphore_mem>>) src(%dma_wait3A_373 : memref<16x1024xf32, #tpu.memory_space<hbm>>) dst(%arg9 : memref<16x1024xf32, #tpu.memory_space<vmem>>)
      %parallel_loop3A_374 = arith.constant 0 : i32
      %parallel_loop3A_375 = arith.constant 1024 : i32
      %parallel_loop3A_376 = arith.constant 1 : i32
      scf.for %parallel_loop3A_429 = %parallel_loop3A_374 to %parallel_loop3A_375 step %parallel_loop3A_376  : i32 {
        %parallel_loop3A_430 = arith.constant 64 : i32
        %parallel_loop3A_431 = arith.divsi %parallel_loop3A_429, %parallel_loop3A_430 : i32
        %parallel_loop3A_432 = arith.constant 0 : i32
        %parallel_loop3A_433 = arith.cmpi sgt, %parallel_loop3A_429, %parallel_loop3A_432 : i32
        %parallel_loop3A_434 = arith.extui %parallel_loop3A_433 : i1 to i32
        %parallel_loop3A_435 = arith.constant 0 : i32
        %parallel_loop3A_436 = arith.cmpi slt, %parallel_loop3A_429, %parallel_loop3A_435 : i32
        %parallel_loop3A_437 = arith.extui %parallel_loop3A_436 : i1 to i32
        %parallel_loop3A_438 = arith.subi %parallel_loop3A_434, %parallel_loop3A_437 : i32
        %parallel_loop3A_439 = arith.constant 0 : i32
        %parallel_loop3A_440 = arith.cmpi sgt, %parallel_loop3A_430, %parallel_loop3A_439 : i32
        %parallel_loop3A_441 = arith.extui %parallel_loop3A_440 : i1 to i32
        %parallel_loop3A_442 = arith.constant 0 : i32
        %parallel_loop3A_443 = arith.cmpi slt, %parallel_loop3A_430, %parallel_loop3A_442 : i32
        %parallel_loop3A_444 = arith.extui %parallel_loop3A_443 : i1 to i32
        %parallel_loop3A_445 = arith.subi %parallel_loop3A_441, %parallel_loop3A_444 : i32
        %parallel_loop3A_446 = arith.cmpi ne, %parallel_loop3A_438, %parallel_loop3A_445 : i32
        %parallel_loop3A_447 = arith.remsi %parallel_loop3A_429, %parallel_loop3A_430 : i32
        %parallel_loop3A_448 = arith.constant 0 : i32
        %parallel_loop3A_449 = arith.cmpi ne, %parallel_loop3A_447, %parallel_loop3A_448 : i32
        %parallel_loop3A_450 = arith.andi %parallel_loop3A_446, %parallel_loop3A_449 : i1
        %parallel_loop3A_451 = arith.constant 1 : i32
        %parallel_loop3A_452 = arith.subi %parallel_loop3A_431, %parallel_loop3A_451 : i32
        %parallel_loop3A_453 = arith.select %parallel_loop3A_450, %parallel_loop3A_452, %parallel_loop3A_431 : i32
        %parallel_loop3A_454 = arith.constant 64 : i32
        %parallel_loop3A_455 = arith.constant 0 : i32
        %parallel_loop3A_456 = arith.cmpi eq, %parallel_loop3A_454, %parallel_loop3A_455 : i32
        %parallel_loop3A_457 = arith.constant 1 : i32
        %parallel_loop3A_458 = arith.select %parallel_loop3A_456, %parallel_loop3A_457, %parallel_loop3A_454 : i32
        %parallel_loop3A_459 = arith.remsi %parallel_loop3A_429, %parallel_loop3A_458 : i32
        %parallel_loop3A_460 = arith.constant 0 : i32
        %parallel_loop3A_461 = arith.cmpi ne, %parallel_loop3A_459, %parallel_loop3A_460 : i32
        %parallel_loop3A_462 = arith.constant 0 : i32
        %parallel_loop3A_463 = arith.cmpi slt, %parallel_loop3A_459, %parallel_loop3A_462 : i32
        %parallel_loop3A_464 = arith.constant 0 : i32
        %parallel_loop3A_465 = arith.cmpi slt, %parallel_loop3A_458, %parallel_loop3A_464 : i32
        %parallel_loop3A_466 = arith.xori %parallel_loop3A_463, %parallel_loop3A_465 : i1
        %parallel_loop3A_467 = arith.andi %parallel_loop3A_466, %parallel_loop3A_461 : i1
        %parallel_loop3A_468 = arith.addi %parallel_loop3A_459, %parallel_loop3A_458 : i32
        %parallel_loop3A_469 = arith.select %parallel_loop3A_467, %parallel_loop3A_468, %parallel_loop3A_459 : i32
        %parallel_loop3A_470 = arith.constant 16 : i32
        %parallel_loop3A_471 = arith.muli %parallel_loop3A_469, %parallel_loop3A_470 : i32
        %parallel_loop3A_472 = arith.index_cast %parallel_loop3A_453 : i32 to index
        %parallel_loop3A_473 = arith.index_cast %parallel_loop3A_471 : i32 to index
        %parallel_loop3A_474 = tpu.vector_load %arg6[%parallel_loop3A_472, %parallel_loop3A_473] {strides = array<i32>} : memref<16x1024xf32, #tpu.memory_space<vmem>>, vector<1x16xf32>,
        %parallel_loop3A_475 = vector.shape_cast %parallel_loop3A_474 : vector<1x16xf32> to vector<16xf32>
        %parallel_loop3A_476 = arith.index_cast %parallel_loop3A_453 : i32 to index
        %parallel_loop3A_477 = arith.index_cast %parallel_loop3A_471 : i32 to index
        %parallel_loop3A_478 = tpu.vector_load %arg9[%parallel_loop3A_476, %parallel_loop3A_477] {strides = array<i32>} : memref<16x1024xf32, #tpu.memory_space<vmem>>, vector<1x16xf32>,
        %parallel_loop3A_479 = vector.shape_cast %parallel_loop3A_478 : vector<1x16xf32> to vector<16xf32>
        %parallel_loop3A_480 = vector.shape_cast %parallel_loop3A_475 : vector<16xf32> to vector<1x16xf32>
        tpu.vector_store %arg9[%parallel_loop3A_476, %parallel_loop3A_477], %parallel_loop3A_480 {add = true, strides = array<i32>} : memref<16x1024xf32, #tpu.memory_space<vmem>>, vector<1x16xf32>,
      } {sc.loop_unroll_factor = 8 : i64, sc.parallel_access}
      %mul3A_377 = arith.constant 16 : i32
      %mul3A_378 = arith.muli %add3A_353, %mul3A_377 : i32
      %add3A_379 = arith.addi %mul3A_2, %mul3A_378 : i32
      %dma_start3A_380 = arith.constant 2 : i32
      %dma_start3A_381 = arith.constant 0 : i32
      %dma_start3A_382 = tpu.memref_slice %arg4[%dma_start3A_380, %add3A_379, %dma_start3A_381] : memref<4x8192x1024xf32, #tpu.memory_space<hbm>> -> memref<1x16x1024xf32, #tpu.memory_space<hbm>>
      %dma_start3A_383 = tpu.memref_squeeze %dma_start3A_382 : memref<1x16x1024xf32, #tpu.memory_space<hbm>> -> memref<16x1024xf32, #tpu.memory_space<hbm>>
      %dma_start3A_384 = arith.constant 0 : i32
      %dma_start3A_385 = tpu.memref_slice %arg4[%dma_start3A_380, %add3A_379, %dma_start3A_384] : memref<4x8192x1024xf32, #tpu.memory_space<hbm>> -> memref<1x16x1024xf32, #tpu.memory_space<hbm>>
      %dma_start3A_386 = tpu.memref_squeeze %dma_start3A_385 : memref<1x16x1024xf32, #tpu.memory_space<hbm>> -> memref<16x1024xf32, #tpu.memory_space<hbm>>
      tpu.enqueue_dma source(%arg9 : memref<16x1024xf32, #tpu.memory_space<vmem>>) target(%dma_start3A_386 : memref<16x1024xf32, #tpu.memory_space<hbm>>) target_semaphore(%arg17 : memref<!tpu.dma_semaphore, #tpu.memory_space<semaphore_mem>>)
      %mul3A_387 = arith.constant 8 : i32
      %mul3A_388 = arith.muli %mul3A_387, %scan3A_76 : i32
      %add3A_389 = arith.constant 7 : i32
      %add3A_390 = arith.addi %mul3A_388, %add3A_389 : i32
      %mul3A_391 = arith.constant 2 : i32
      %mul3A_392 = arith.muli %mul3A_391, %scan3A_76 : i32
      %add3A_393 = arith.constant 1 : i32
      %add3A_394 = arith.addi %mul3A_392, %add3A_393 : i32
      %mul3A_395 = arith.constant 2 : i32
      %mul3A_396 = arith.muli %mul3A_395, %scan3A_76 : i32
      %add3A_397 = arith.constant 2 : i32
      %add3A_398 = arith.addi %mul3A_396, %add3A_397 : i32
      %add3A_399 = arith.constant 3 : i32
      %add3A_400 = arith.addi %add3A_390, %add3A_399 : i32
      %lt3A_401 = arith.constant 64 : i32
      %lt3A_402 = arith.cmpi slt, %add3A_400, %lt3A_401 : i32
      %convert_element_type3A_403 = arith.extui %lt3A_402 : i1 to i32
      %cond3A_404 = arith.constant 0 : i32
      %cond3A_405 = arith.cmpi ne, %convert_element_type3A_403, %cond3A_404 : i32
      scf.if %cond3A_405 {
        %ge3A = arith.constant 1 : i32
        %ge3A_429 = arith.cmpi sge, %add3A_390, %ge3A : i32
        %convert_element_type3A_430 = arith.extui %ge3A_429 : i1 to i32
        %cond3A_431 = arith.constant 0 : i32
        %cond3A_432 = arith.cmpi ne, %convert_element_type3A_430, %cond3A_431 : i32
        scf.if %cond3A_432 {
          %dma_wait3A_443 = arith.constant 0 : i32
          %dma_wait3A_444 = arith.constant 0 : i32
          %dma_wait3A_445 = arith.constant 0 : i32
          %dma_wait3A_446 = tpu.memref_slice %arg4[%dma_wait3A_443, %dma_wait3A_444, %dma_wait3A_445] : memref<4x8192x1024xf32, #tpu.memory_space<hbm>> -> memref<1x16x1024xf32, #tpu.memory_space<hbm>>
          %dma_wait3A_447 = tpu.memref_squeeze %dma_wait3A_446 : memref<1x16x1024xf32, #tpu.memory_space<hbm>> -> memref<16x1024xf32, #tpu.memory_space<hbm>>
          %dma_wait3A_448 = arith.constant 0 : i32
          %dma_wait3A_449 = arith.constant 0 : i32
          %dma_wait3A_450 = tpu.memref_slice %arg4[%dma_wait3A_443, %dma_wait3A_448, %dma_wait3A_449] : memref<4x8192x1024xf32, #tpu.memory_space<hbm>> -> memref<1x16x1024xf32, #tpu.memory_space<hbm>>
          %dma_wait3A_451 = tpu.memref_squeeze %dma_wait3A_450 : memref<1x16x1024xf32, #tpu.memory_space<hbm>> -> memref<16x1024xf32, #tpu.memory_space<hbm>>
          tpu.wait_dma2 semaphore(%arg17 : memref<!tpu.dma_semaphore, #tpu.memory_space<semaphore_mem>>) src(%arg9 : memref<16x1024xf32, #tpu.memory_space<vmem>>) dst(%dma_wait3A_451 : memref<16x1024xf32, #tpu.memory_space<hbm>>)
        } else {
        }
        %mul3A_433 = arith.constant 16 : i32
        %mul3A_434 = arith.muli %add3A_398, %mul3A_433 : i32
        %add3A_435 = arith.addi %mul3A_2, %mul3A_434 : i32
        %dma_start3A_436 = arith.constant 2 : i32
        %dma_start3A_437 = arith.constant 0 : i32
        %dma_start3A_438 = tpu.memref_slice %arg2[%dma_start3A_436, %add3A_435, %dma_start3A_437] : memref<4x8192x1024xf32, #tpu.memory_space<hbm>> -> memref<1x16x1024xf32, #tpu.memory_space<hbm>>
        %dma_start3A_439 = tpu.memref_squeeze %dma_start3A_438 : memref<1x16x1024xf32, #tpu.memory_space<hbm>> -> memref<16x1024xf32, #tpu.memory_space<hbm>>
        %dma_start3A_440 = arith.constant 0 : i32
        %dma_start3A_441 = tpu.memref_slice %arg2[%dma_start3A_436, %add3A_435, %dma_start3A_440] : memref<4x8192x1024xf32, #tpu.memory_space<hbm>> -> memref<1x16x1024xf32, #tpu.memory_space<hbm>>
        %dma_start3A_442 = tpu.memref_squeeze %dma_start3A_441 : memref<1x16x1024xf32, #tpu.memory_space<hbm>> -> memref<16x1024xf32, #tpu.memory_space<hbm>>
        tpu.enqueue_dma source(%dma_start3A_442 : memref<16x1024xf32, #tpu.memory_space<hbm>>) target(%arg9 : memref<16x1024xf32, #tpu.memory_space<vmem>>) target_semaphore(%arg13 : memref<!tpu.dma_semaphore, #tpu.memory_space<semaphore_mem>>)
      } else {
      }
      %dma_wait3A_406 = arith.constant 0 : i32
      %dma_wait3A_407 = arith.constant 0 : i32
      %dma_wait3A_408 = arith.constant 0 : i32
      %dma_wait3A_409 = tpu.memref_slice %arg2[%dma_wait3A_406, %dma_wait3A_407, %dma_wait3A_408] : memref<4x8192x1024xf32, #tpu.memory_space<hbm>> -> memref<1x16x1024xf32, #tpu.memory_space<hbm>>
      %dma_wait3A_410 = tpu.memref_squeeze %dma_wait3A_409 : memref<1x16x1024xf32, #tpu.memory_space<hbm>> -> memref<16x1024xf32, #tpu.memory_space<hbm>>
      %dma_wait3A_411 = arith.constant 0 : i32
      %dma_wait3A_412 = arith.constant 0 : i32
      %dma_wait3A_413 = tpu.memref_slice %arg2[%dma_wait3A_406, %dma_wait3A_411, %dma_wait3A_412] : memref<4x8192x1024xf32, #tpu.memory_space<hbm>> -> memref<1x16x1024xf32, #tpu.memory_space<hbm>>
      %dma_wait3A_414 = tpu.memref_squeeze %dma_wait3A_413 : memref<1x16x1024xf32, #tpu.memory_space<hbm>> -> memref<16x1024xf32, #tpu.memory_space<hbm>>
      tpu.wait_dma2 semaphore(%arg14 : memref<!tpu.dma_semaphore, #tpu.memory_space<semaphore_mem>>) src(%dma_wait3A_414 : memref<16x1024xf32, #tpu.memory_space<hbm>>) dst(%arg10 : memref<16x1024xf32, #tpu.memory_space<vmem>>)
      %parallel_loop3A_415 = arith.constant 0 : i32
      %parallel_loop3A_416 = arith.constant 1024 : i32
      %parallel_loop3A_417 = arith.constant 1 : i32
      scf.for %parallel_loop3A_429 = %parallel_loop3A_415 to %parallel_loop3A_416 step %parallel_loop3A_417  : i32 {
        %parallel_loop3A_430 = arith.constant 64 : i32
        %parallel_loop3A_431 = arith.divsi %parallel_loop3A_429, %parallel_loop3A_430 : i32
        %parallel_loop3A_432 = arith.constant 0 : i32
        %parallel_loop3A_433 = arith.cmpi sgt, %parallel_loop3A_429, %parallel_loop3A_432 : i32
        %parallel_loop3A_434 = arith.extui %parallel_loop3A_433 : i1 to i32
        %parallel_loop3A_435 = arith.constant 0 : i32
        %parallel_loop3A_436 = arith.cmpi slt, %parallel_loop3A_429, %parallel_loop3A_435 : i32
        %parallel_loop3A_437 = arith.extui %parallel_loop3A_436 : i1 to i32
        %parallel_loop3A_438 = arith.subi %parallel_loop3A_434, %parallel_loop3A_437 : i32
        %parallel_loop3A_439 = arith.constant 0 : i32
        %parallel_loop3A_440 = arith.cmpi sgt, %parallel_loop3A_430, %parallel_loop3A_439 : i32
        %parallel_loop3A_441 = arith.extui %parallel_loop3A_440 : i1 to i32
        %parallel_loop3A_442 = arith.constant 0 : i32
        %parallel_loop3A_443 = arith.cmpi slt, %parallel_loop3A_430, %parallel_loop3A_442 : i32
        %parallel_loop3A_444 = arith.extui %parallel_loop3A_443 : i1 to i32
        %parallel_loop3A_445 = arith.subi %parallel_loop3A_441, %parallel_loop3A_444 : i32
        %parallel_loop3A_446 = arith.cmpi ne, %parallel_loop3A_438, %parallel_loop3A_445 : i32
        %parallel_loop3A_447 = arith.remsi %parallel_loop3A_429, %parallel_loop3A_430 : i32
        %parallel_loop3A_448 = arith.constant 0 : i32
        %parallel_loop3A_449 = arith.cmpi ne, %parallel_loop3A_447, %parallel_loop3A_448 : i32
        %parallel_loop3A_450 = arith.andi %parallel_loop3A_446, %parallel_loop3A_449 : i1
        %parallel_loop3A_451 = arith.constant 1 : i32
        %parallel_loop3A_452 = arith.subi %parallel_loop3A_431, %parallel_loop3A_451 : i32
        %parallel_loop3A_453 = arith.select %parallel_loop3A_450, %parallel_loop3A_452, %parallel_loop3A_431 : i32
        %parallel_loop3A_454 = arith.constant 64 : i32
        %parallel_loop3A_455 = arith.constant 0 : i32
        %parallel_loop3A_456 = arith.cmpi eq, %parallel_loop3A_454, %parallel_loop3A_455 : i32
        %parallel_loop3A_457 = arith.constant 1 : i32
        %parallel_loop3A_458 = arith.select %parallel_loop3A_456, %parallel_loop3A_457, %parallel_loop3A_454 : i32
        %parallel_loop3A_459 = arith.remsi %parallel_loop3A_429, %parallel_loop3A_458 : i32
        %parallel_loop3A_460 = arith.constant 0 : i32
        %parallel_loop3A_461 = arith.cmpi ne, %parallel_loop3A_459, %parallel_loop3A_460 : i32
        %parallel_loop3A_462 = arith.constant 0 : i32
        %parallel_loop3A_463 = arith.cmpi slt, %parallel_loop3A_459, %parallel_loop3A_462 : i32
        %parallel_loop3A_464 = arith.constant 0 : i32
        %parallel_loop3A_465 = arith.cmpi slt, %parallel_loop3A_458, %parallel_loop3A_464 : i32
        %parallel_loop3A_466 = arith.xori %parallel_loop3A_463, %parallel_loop3A_465 : i1
        %parallel_loop3A_467 = arith.andi %parallel_loop3A_466, %parallel_loop3A_461 : i1
        %parallel_loop3A_468 = arith.addi %parallel_loop3A_459, %parallel_loop3A_458 : i32
        %parallel_loop3A_469 = arith.select %parallel_loop3A_467, %parallel_loop3A_468, %parallel_loop3A_459 : i32
        %parallel_loop3A_470 = arith.constant 16 : i32
        %parallel_loop3A_471 = arith.muli %parallel_loop3A_469, %parallel_loop3A_470 : i32
        %parallel_loop3A_472 = arith.index_cast %parallel_loop3A_453 : i32 to index
        %parallel_loop3A_473 = arith.index_cast %parallel_loop3A_471 : i32 to index
        %parallel_loop3A_474 = tpu.vector_load %arg6[%parallel_loop3A_472, %parallel_loop3A_473] {strides = array<i32>} : memref<16x1024xf32, #tpu.memory_space<vmem>>, vector<1x16xf32>,
        %parallel_loop3A_475 = vector.shape_cast %parallel_loop3A_474 : vector<1x16xf32> to vector<16xf32>
        %parallel_loop3A_476 = arith.index_cast %parallel_loop3A_453 : i32 to index
        %parallel_loop3A_477 = arith.index_cast %parallel_loop3A_471 : i32 to index
        %parallel_loop3A_478 = tpu.vector_load %arg10[%parallel_loop3A_476, %parallel_loop3A_477] {strides = array<i32>} : memref<16x1024xf32, #tpu.memory_space<vmem>>, vector<1x16xf32>,
        %parallel_loop3A_479 = vector.shape_cast %parallel_loop3A_478 : vector<1x16xf32> to vector<16xf32>
        %parallel_loop3A_480 = vector.shape_cast %parallel_loop3A_475 : vector<16xf32> to vector<1x16xf32>
        tpu.vector_store %arg10[%parallel_loop3A_476, %parallel_loop3A_477], %parallel_loop3A_480 {add = true, strides = array<i32>} : memref<16x1024xf32, #tpu.memory_space<vmem>>, vector<1x16xf32>,
      } {sc.loop_unroll_factor = 8 : i64, sc.parallel_access}
      %mul3A_418 = arith.constant 16 : i32
      %mul3A_419 = arith.muli %add3A_394, %mul3A_418 : i32
      %add3A_420 = arith.addi %mul3A_2, %mul3A_419 : i32
      %dma_start3A_421 = arith.constant 3 : i32
      %dma_start3A_422 = arith.constant 0 : i32
      %dma_start3A_423 = tpu.memref_slice %arg4[%dma_start3A_421, %add3A_420, %dma_start3A_422] : memref<4x8192x1024xf32, #tpu.memory_space<hbm>> -> memref<1x16x1024xf32, #tpu.memory_space<hbm>>
      %dma_start3A_424 = tpu.memref_squeeze %dma_start3A_423 : memref<1x16x1024xf32, #tpu.memory_space<hbm>> -> memref<16x1024xf32, #tpu.memory_space<hbm>>
      %dma_start3A_425 = arith.constant 0 : i32
      %dma_start3A_426 = tpu.memref_slice %arg4[%dma_start3A_421, %add3A_420, %dma_start3A_425] : memref<4x8192x1024xf32, #tpu.memory_space<hbm>> -> memref<1x16x1024xf32, #tpu.memory_space<hbm>>
      %dma_start3A_427 = tpu.memref_squeeze %dma_start3A_426 : memref<1x16x1024xf32, #tpu.memory_space<hbm>> -> memref<16x1024xf32, #tpu.memory_space<hbm>>
      tpu.enqueue_dma source(%arg10 : memref<16x1024xf32, #tpu.memory_space<vmem>>) target(%dma_start3A_427 : memref<16x1024xf32, #tpu.memory_space<hbm>>) target_semaphore(%arg18 : memref<!tpu.dma_semaphore, #tpu.memory_space<semaphore_mem>>)
      %scan3A_428 = arith.constant 0 : i32
      scf.yield %scan3A_428 : i32
    }
    %scan3A_40 = arith.constant 8 : i32
    %dma_wait3A = arith.constant 0 : i32
    %dma_wait3A_41 = arith.constant 0 : i32
    %dma_wait3A_42 = arith.constant 0 : i32
    %dma_wait3A_43 = tpu.memref_slice %arg4[%dma_wait3A, %dma_wait3A_41, %dma_wait3A_42] : memref<4x8192x1024xf32, #tpu.memory_space<hbm>> -> memref<1x16x1024xf32, #tpu.memory_space<hbm>>
    %dma_wait3A_44 = tpu.memref_squeeze %dma_wait3A_43 : memref<1x16x1024xf32, #tpu.memory_space<hbm>> -> memref<16x1024xf32, #tpu.memory_space<hbm>>
    %dma_wait3A_45 = arith.constant 0 : i32
    %dma_wait3A_46 = arith.constant 0 : i32
    %dma_wait3A_47 = tpu.memref_slice %arg4[%dma_wait3A, %dma_wait3A_45, %dma_wait3A_46] : memref<4x8192x1024xf32, #tpu.memory_space<hbm>> -> memref<1x16x1024xf32, #tpu.memory_space<hbm>>
    %dma_wait3A_48 = tpu.memref_squeeze %dma_wait3A_47 : memref<1x16x1024xf32, #tpu.memory_space<hbm>> -> memref<16x1024xf32, #tpu.memory_space<hbm>>
    tpu.wait_dma2 semaphore(%arg15 : memref<!tpu.dma_semaphore, #tpu.memory_space<semaphore_mem>>) src(%arg7 : memref<16x1024xf32, #tpu.memory_space<vmem>>) dst(%dma_wait3A_48 : memref<16x1024xf32, #tpu.memory_space<hbm>>)
    %dma_wait3A_49 = arith.constant 0 : i32
    %dma_wait3A_50 = arith.constant 0 : i32
    %dma_wait3A_51 = arith.constant 0 : i32
    %dma_wait3A_52 = tpu.memref_slice %arg4[%dma_wait3A_49, %dma_wait3A_50, %dma_wait3A_51] : memref<4x8192x1024xf32, #tpu.memory_space<hbm>> -> memref<1x16x1024xf32, #tpu.memory_space<hbm>>
    %dma_wait3A_53 = tpu.memref_squeeze %dma_wait3A_52 : memref<1x16x1024xf32, #tpu.memory_space<hbm>> -> memref<16x1024xf32, #tpu.memory_space<hbm>>
    %dma_wait3A_54 = arith.constant 0 : i32
    %dma_wait3A_55 = arith.constant 0 : i32
    %dma_wait3A_56 = tpu.memref_slice %arg4[%dma_wait3A_49, %dma_wait3A_54, %dma_wait3A_55] : memref<4x8192x1024xf32, #tpu.memory_space<hbm>> -> memref<1x16x1024xf32, #tpu.memory_space<hbm>>
    %dma_wait3A_57 = tpu.memref_squeeze %dma_wait3A_56 : memref<1x16x1024xf32, #tpu.memory_space<hbm>> -> memref<16x1024xf32, #tpu.memory_space<hbm>>
    tpu.wait_dma2 semaphore(%arg16 : memref<!tpu.dma_semaphore, #tpu.memory_space<semaphore_mem>>) src(%arg8 : memref<16x1024xf32, #tpu.memory_space<vmem>>) dst(%dma_wait3A_57 : memref<16x1024xf32, #tpu.memory_space<hbm>>)
    %dma_wait3A_58 = arith.constant 0 : i32
    %dma_wait3A_59 = arith.constant 0 : i32
    %dma_wait3A_60 = arith.constant 0 : i32
    %dma_wait3A_61 = tpu.memref_slice %arg4[%dma_wait3A_58, %dma_wait3A_59, %dma_wait3A_60] : memref<4x8192x1024xf32, #tpu.memory_space<hbm>> -> memref<1x16x1024xf32, #tpu.memory_space<hbm>>
    %dma_wait3A_62 = tpu.memref_squeeze %dma_wait3A_61 : memref<1x16x1024xf32, #tpu.memory_space<hbm>> -> memref<16x1024xf32, #tpu.memory_space<hbm>>
    %dma_wait3A_63 = arith.constant 0 : i32
    %dma_wait3A_64 = arith.constant 0 : i32
    %dma_wait3A_65 = tpu.memref_slice %arg4[%dma_wait3A_58, %dma_wait3A_63, %dma_wait3A_64] : memref<4x8192x1024xf32, #tpu.memory_space<hbm>> -> memref<1x16x1024xf32, #tpu.memory_space<hbm>>
    %dma_wait3A_66 = tpu.memref_squeeze %dma_wait3A_65 : memref<1x16x1024xf32, #tpu.memory_space<hbm>> -> memref<16x1024xf32, #tpu.memory_space<hbm>>
    tpu.wait_dma2 semaphore(%arg17 : memref<!tpu.dma_semaphore, #tpu.memory_space<semaphore_mem>>) src(%arg9 : memref<16x1024xf32, #tpu.memory_space<vmem>>) dst(%dma_wait3A_66 : memref<16x1024xf32, #tpu.memory_space<hbm>>)
    %dma_wait3A_67 = arith.constant 0 : i32
    %dma_wait3A_68 = arith.constant 0 : i32
    %dma_wait3A_69 = arith.constant 0 : i32
    %dma_wait3A_70 = tpu.memref_slice %arg4[%dma_wait3A_67, %dma_wait3A_68, %dma_wait3A_69] : memref<4x8192x1024xf32, #tpu.memory_space<hbm>> -> memref<1x16x1024xf32, #tpu.memory_space<hbm>>
    %dma_wait3A_71 = tpu.memref_squeeze %dma_wait3A_70 : memref<1x16x1024xf32, #tpu.memory_space<hbm>> -> memref<16x1024xf32, #tpu.memory_space<hbm>>
    %dma_wait3A_72 = arith.constant 0 : i32
    %dma_wait3A_73 = arith.constant 0 : i32
    %dma_wait3A_74 = tpu.memref_slice %arg4[%dma_wait3A_67, %dma_wait3A_72, %dma_wait3A_73] : memref<4x8192x1024xf32, #tpu.memory_space<hbm>> -> memref<1x16x1024xf32, #tpu.memory_space<hbm>>
    %dma_wait3A_75 = tpu.memref_squeeze %dma_wait3A_74 : memref<1x16x1024xf32, #tpu.memory_space<hbm>> -> memref<16x1024xf32, #tpu.memory_space<hbm>>
    tpu.wait_dma2 semaphore(%arg18 : memref<!tpu.dma_semaphore, #tpu.memory_space<semaphore_mem>>) src(%arg10 : memref<16x1024xf32, #tpu.memory_space<vmem>>) dst(%dma_wait3A_75 : memref<16x1024xf32, #tpu.memory_space<hbm>>)
    return
  }
}

</mosaic_0001>

<sc_bundles>
// kernel: kernel.3.cloned.1.call-start
scs
__scs_entry_jumppad:
0x0: {  	(pc) =	sbr.rel $0x88, $3  }
0x1: {  	(tag) =	ssettag $0x0;
	lr =	simm.s32 $0x1  }
0x2: {  	[smem:$0x3F9F] =	sst lr;
	_ =	strace $0xD0000000  }
0x3: {  	_ = 	snop  }
0x4: {  	_ = 	snop  }
0x5: {  	_ = 	snop  }
0x6: {  	_ = 	snop  }
0x7: {  	_ = 	snop  }
__scs_overlays_trampoline_lowered:
0x8: {  	[smem:$0x3FAE] =	sst s0  }
0x9: {  	[smem:$0x3FAF] =	sst s1  }
0xa: {  	[smem:$0x3FB0] =	sst s2  }
0xb: {  	[smem:$0x3FB1] =	sst s3  }
0xc: {  	[smem:$0x3FB2] =	sst s4  }
0xd: {  	[smem:$0x3FB3] =	sst s5  }
0xe: {  	[smem:$0x3FB4] =	sst s6  }
0xf: {  	[smem:$0x3FB5] =	sst s7  }
0x10: {  	[smem:$0x3FB6] =	sst s8  }
0x11: {  	[smem:$0x3FB7] =	sst s9;
	s0 =	simm.s32 @!p0 $0x0  }
0x12: {  	s1 =	sld [smem:$0x3F9D];
	s0 =	simm.s32 @p0 $0x1  }
0x13: {  	[smem:$0x3FB8] =	sst s0;
	s0 =	simm.s32 @!p1 $0x0  }
0x14: {  	s2 =	sld [smem:$0x3F9C];
	s0 =	simm.s32 @p1 $0x1  }
0x15: {  	[smem:$0x3FB9] =	sst s0;
	s0 =	simm.s32 @!p2 $0x0  }
0x16: {  	s3 =	sld [smem:$0x3FDB];
	s0 =	simm.s32 @p2 $0x1  }
0x17: {  	s4 =	simm.s32 $0x1BF5;
	[smem:$0x3FBB] =	sst s0  }
0x18: {  	s0 =	sld [smem:$0x3F9E];
	_ =	swait.ge [sflag:s4], $0x0  }
0x19: {  	s7 =	sld [smem:$0x3F9F]  }
0x1a: {  	s8 =	sadd.s32 $0xFFFFE003, lr  }
0x1b: {  	s9 =	sadd.s32 $0xFFFFFEF7, lr;
	s5 =	simm.s32 $0xFFFFFFFF;
	p2 =	slt.u32 s8, $0xFFFFF086  }
0x1c: {  	p1 =	slt.u32 s9, $0xF7A;
	s5 =	simm.s32 @!p2 $0x0  }
0x1d: {  	s5 =	simm.s32 @p1 $0x1;
	p0 =	seq.s32 s7, s2  }
0x1e: {  	s7 =	smul.u32 @!p0 $0xF7A, s2;
	p2 =	seq.s32 @!p0 s5, $0x0  }
0x1f: {  	s9 =	smul.u32 $0xF7A, s1;
	s8 =	simm.s32 @!p0 $0x1BF5;
	p2 =	por !p2, p0  }
0x20: {  	[sflag:s8] =	ssyncset.s32 @!p0 $0xFFFFF086;
	s6 =	sadd.s32 @!p0 s3, s7;
	s7 =	simm.s32 @!p0 $0x108  }
0x21: {  	s3 =	sadd.s32 s3, s9;
	s6 =	sadd.s32 @!p0 $0x88, s6;
	s7 =	simm.s32 @p2 $0x1082  }
0x22: {  	[simem:s7], [sflag:s8] =	dma.local @!p0 [hbm:s6], $0xF7A  }
0x23: {  	s9 =	sor.u32 $0xD0000000, s2;
	s6 =	simm.s32 $0x108;
	_ =	swait.ge @!p0 [sflag:s8], $0x0  }
0x24: {  	s3 =	sadd.s32 $0x88, s3;
	s6 =	simm.s32 @!p1 $0x1082;
	[sflag:s4] =	ssyncset.s32 $0xFFFFF086  }
0x25: {  	[simem:s6], [sflag:s4] =	dma.local [hbm:s3], $0xF7A  }
0x26: {  	[smem:$0x3F9F] =	sst s1;
	(tag) =	ssettag s2;
	_ =	strace s9  }
0x27: {  	s1 =	sld [smem:$0x3FAF]  }
0x28: {  	s2 =	sld [smem:$0x3FB0]  }
0x29: {  	s4 =	sld [smem:$0x3FB2]  }
0x2a: {  	p0 =	seq.s32 s5, $0x0;
	s5 =	sld [smem:$0x3FB3]  }
0x2b: {  	s6 =	sld [smem:$0x3FB4]  }
0x2c: {  	s7 =	sld [smem:$0x3FB5]  }
0x2d: {  	s3 =	simm.s32 $0x108;
	s8 =	sld [smem:$0x3FB6]  }
0x2e: {  	s3 =	simm.s32 @!p0 $0x1082;
	s9 =	sld [smem:$0x3FB7]  }
0x2f: {  	lr =	sadd.s32 s0, s3;
	s0 =	sld [smem:$0x3FAE]  }
0x30: {  	s3 =	sld [smem:$0x3FB1]  }
0x31: {  	[smem:$0x3FBA] =	sst s10  }
0x32: {  	s10 =	sld [smem:$0x3FB8];
	_ =	sdelay $0x3  }
0x33: {  	p0 =	seq.s32 s10, $0x1;
	s10 =	sld [smem:$0x3FBA];
	_ =	sdelay $0x3  }
0x34: {  	[smem:$0x3FBA] =	sst s10  }
0x35: {  	s10 =	sld [smem:$0x3FB9];
	_ =	sdelay $0x3  }
0x36: {  	p1 =	seq.s32 s10, $0x1;
	s10 =	sld [smem:$0x3FBA];
	_ =	sdelay $0x3  }
0x37: {  	[smem:$0x3FBA] =	sst s10  }
0x38: {  	s10 =	sld [smem:$0x3FBB]  }
0x39: {  	_ = 	snop;
	(pc) =	sbr.ind lr, $3  }
0x3a: {  	_ = 	snop  }
0x3b: {  	_ = 	snop  }
0x3c: {  	p2 =	seq.s32 s10, $0x1;
	s10 =	sld [smem:$0x3FBA]  }
0x3d: {  	_ =	shalt  }
0x3e: {  	_ =	shalt  }
0x3f: {  	_ =	shalt  }
0x40: {  	_ =	shalt  }
0x41: {  	_ =	shalt  }
0x42: {  	_ =	shalt  }
0x43: {  	_ =	shalt  }
0x44: {  	_ =	shalt  }
0x45: {  	_ =	shalt  }
0x46: {  	_ =	shalt  }
0x47: {  	_ =	shalt  }
0x48: {  	_ =	shalt  }
0x49: {  	_ =	shalt  }
0x4a: {  	_ =	shalt  }
0x4b: {  	_ =	shalt  }
0x4c: {  	_ =	shalt  }
0x4d: {  	_ =	shalt  }
0x4e: {  	_ =	shalt  }
0x4f: {  	_ =	shalt  }
0x50: {  	_ =	shalt  }
0x51: {  	_ =	shalt  }
0x52: {  	_ =	shalt  }
0x53: {  	_ =	shalt  }
0x54: {  	_ =	shalt  }
0x55: {  	_ =	shalt  }
0x56: {  	_ =	shalt  }
0x57: {  	_ =	shalt  }
0x58: {  	_ =	shalt  }
0x59: {  	_ =	shalt  }
0x5a: {  	_ =	shalt  }
0x5b: {  	_ =	shalt  }
0x5c: {  	_ =	shalt  }
0x5d: {  	_ =	shalt  }
0x5e: {  	_ =	shalt  }
0x5f: {  	_ =	shalt  }
0x60: {  	_ =	shalt  }
0x61: {  	_ =	shalt  }
0x62: {  	_ =	shalt  }
0x63: {  	_ =	shalt  }
0x64: {  	_ =	shalt  }
0x65: {  	_ =	shalt  }
0x66: {  	_ =	shalt  }
0x67: {  	_ =	shalt  }
0x68: {  	_ =	shalt  }
0x69: {  	_ =	shalt  }
0x6a: {  	_ =	shalt  }
0x6b: {  	_ =	shalt  }
0x6c: {  	_ =	shalt  }
0x6d: {  	_ =	shalt  }
0x6e: {  	_ =	shalt  }
0x6f: {  	_ =	shalt  }
0x70: {  	_ =	shalt  }
0x71: {  	_ =	shalt  }
0x72: {  	_ =	shalt  }
0x73: {  	_ =	shalt  }
0x74: {  	_ =	shalt  }
0x75: {  	_ =	shalt  }
0x76: {  	_ =	shalt  }
0x77: {  	_ =	shalt  }
0x78: {  	_ =	shalt  }
0x79: {  	_ =	shalt  }
0x7a: {  	_ =	shalt  }
0x7b: {  	_ =	shalt  }
0x7c: {  	_ =	shalt  }
0x7d: {  	_ =	shalt  }
0x7e: {  	_ =	shalt  }
0x7f: {  	_ =	shalt  }
0x80: {  	_ =	shalt  }
0x81: {  	_ =	shalt  }
0x82: {  	_ =	shalt  }
0x83: {  	_ =	shalt  }
0x84: {  	_ =	shalt  }
0x85: {  	_ =	shalt  }
0x86: {  	_ =	shalt  }
0x87: {  	_ =	shalt  }
.Lfunc_end0:
.L_simem_size_0:
called_computation_lowered:
.L_overlay_start_0:
0x88: {  	s2 =	sld [smem:$0x3FD9]  }
0x89: {  	s3 =	sld [smem:$0x3FFE];
	_ =	sdelay $0x1  }
0x8a: {  	s1 =	srdreg.scid  }
0x8b: {  	s0 =	sand.u32 $0x1, s1  }
0x8c: {  	s18 =	sshll.u32 s0, $0xA;
	s2 =	sadd.s32 s3, s2  }
0x8d: {  	s2 =	sadd.s32 s2, s18  }
0x8e: {  	[smem:$0x3FC6] =	sst s2  }
0x8f: {  	_ = 	snop  }
0x90: {  	s2 =	sld [smem:$0x3FC9]  }
0x91: {  	s19 =	sld [smem:$0x3FC8]  }
0x92: {  	s4 =	sld [smem:$0x3FD0];
	(tm) =	ssettm $0x1  }
0x93: {  	s5 =	sld [smem:$0x3FFB];
	_ =	sdelay $0x3  }
0x94: {  	_ =	strace s5  }
0x95: {  	s5 =	sld [smem:$0x3FFC];
	_ =	sdelay $0x3  }
0x96: {  	_ =	strace s5  }
0x97: {  	s5 =	sld [smem:$0x3FFD];
	_ =	sdelay $0x3  }
0x98: {  	_ =	strace s5  }
0x99: {  	_ =	strace $0x8FFFFFFF  }
0x9a: {  	s20 =	sld [smem:$0x3FDB];
	_ =	sdelay $0x1  }
0x9b: {  	s6 =	simm.s32 $_scs_section_size  }
0x9c: {  	s7 =	simm.s32 $_size__tile_overlayer_lowered;
	s8 =	simm.s32 $_tile_overlayer_lowered  }
0x9d: {  	s23 =	simm.s32 $0x1BFF;
	s22 =	sshll.u32 s8, $0x1;
	s5 =	sadd.s32 s6, s20  }
0x9e: {  	s9 =	simm.s32 $0x0;
	s21 =	sshll.u32 s7, $0x1;
	s7 =	sadd.s32 s22, s5  }
0x9f: {  	[timem:s9], [sflag:s23] =	dma.local [hbm:s7], s21  }
0xa0: {  	_ =	swait.ge [sflag:s23], s21  }
0xa1: {  	s6 =	ssub.s32 $0x0, s21;
	[sflag:s23] =	ssyncset.done $0x0  }
0xa2: {  	[sflag:s23] =	ssyncadd.s32 s6;
	_ =	sdelay $0x1  }
0xa3: {  	s24 =	simm.s32 $0x1B8B  }
0xa4: {  	_ =	swait.ge [sflag:s24], $0x1  }
0xa5: {  	[sflag:s24] =	ssyncset.done $0x0  }
0xa6: {  	s25 =	simm.s32 $0x1B8E;
	[sflag:s24] =	ssyncadd.s32 $0xFFFFFFFF  }
0xa7: {  	s26 =	simm.s32 $execute0_lowered;
	[smem:$0x3FD2] =	sst s25  }
0xa8: {  	s6 =	sshll.u32 s26, $0x1;
	_ =	strace $0x80000046;
	[dreg:$0x1] =	wrdreg $0xFFFFFFFF  }
0xa9: {  	s28 =	simm.s32 $_size_execute0_lowered;
	s5 =	sadd.s32 s5, s6;
	[dreg:$0x0] =	wrdreg $0x0  }
0xaa: {  	s6 =	sshll.u32 s28, $0x1;
	[dreg:$0x2] =	wrdreg s5  }
0xab: {  	[dreg:$0x3] =	wrdreg s6  }
0xac: {  	[dreg:$0x4] =	wrdreg $0xC0  }
0xad: {  	_ =	task [dreg:s9], $0x5FFFF  }
0xae: {  	[dreg:$0x1] =	wrdreg $0xFFFFFFFF  }
0xaf: {  	[dreg:$0x0] =	wrdreg $0x60  }
0xb0: {  	[dreg:$0x2] =	wrdreg s2  }
0xb1: {  	[dreg:$0x3] =	wrdreg s19  }
0xb2: {  	[dreg:$0x4] =	wrdreg s4  }
0xb3: {  	[dreg:$0x5] =	wrdreg $0x9  }
0xb4: {  	_ =	task.clear_ibuf [dreg:s9], $0x6FFFF;
	_ =	strace $0x90000046  }
0xb5: {  	s29 =	simm.s32 $0x9;
	_ =	strace $0x80000048  }
0xb6: {  	_ =	swait.ge [sflag:s29], $0x1  }
0xb7: {  	[sflag:s29] =	ssyncadd.s32 $0xFFFFFFFF  }
0xb8: {  	_ =	strace $0x90000048  }
0xb9: {  	_ =	sfence  }
0xba: {  	s30 =	sld [smem:$0x0];
	_ =	sdelay $0x2  }
0xbb: {  	s31 =	sshll.u32 s1, $0xD;
	s1 =	sshrl.u32 s1, $0x2  }
0xbc: {  	s3 =	sand.u32 $0x4000, s31;
	s1 =	sadd.s32 s1, s30  }
0xbd: {  	s0 =	sor.u32 s3, s0;
	s1 =	sshll.u32 s1, $0x11  }
0xbe: {  	s0 =	sor.u32 s1, s0  }
0xbf: {  	s0 =	sadd.s32 $0x8F2B, s0  }
0xc0: {  	[sflag:s0] =	ssyncadd.remote.s32 $0x1  }
0xc1: {  	_ =	sfence.sel $0xFFFF  }
0xc2: {  	[dreg:$0x0] =	wrdreg $0xFFFFFFFF;
	(pc) =	sbr.abs _section_cstart, $3  }
0xc3: {  	[dreg:$0x1] =	wrdreg $0xFFFFFFFF  }
0xc4: {  	_ =	task.clear_ibuf [dreg:s9], $0x2FFFF;
	_ =	strace $0x9FFFFFFF  }
0xc5: {  	(tm) =	ssettm $0x7FFFFFFF  }
tec
execute0_lowered:
.L_overlay_start_1:
0x0: {  	(tag) =	ssettag $0x1  }
0x1: {  	s3 =	rddreg [dreg:$0x0]  }
0x2: {  	s6 =	rddreg [dreg:$0x1]  }
0x3: {  	s4 =	rddreg [dreg:$0x2];
	s0 =	srdreg.scid  }
0x4: {  	s1 =	stileid.u32;
	s5 =	simm.s32 $0x0;
	s18 =	simm.s32 $0x8000  }
0x5: {  	s19 =	simm.s32 $0xC000;
	s31 =	simm.s32 $0x10000;
	s28 =	simm.s32 $0x3  }
0x6: {  	s29 =	simm.s32 $0x7;
	s30 =	simm.s32 $0x4;
	s0 =	sand.u32 $0x1, s0  }
0x7: {  	s1 =	sshll.u32 s1, $0x9;
	[smem:$0x7FF] =	sst s5;
	s23 =	sadd.s32 $0x100000, s3  }
0x8: {  	s24 =	sadd.s32 $0x200000, s3;
	_ =	strace $0x80000047;
	[dreg:$0x7] =	wrdreg s23  }
0x9: {  	s26 =	sadd.s32 $0x300000, s3;
	s2 =	sshll.u32 s0, $0x8;
	[dreg:$0x8] =	wrdreg s24  }
0xa: {  	s0 =	ssub.s32 $0x2, s0;
	[dreg:$0xb] =	wrdreg s26;
	s1 =	sor.u32 s2, s1  }
0xb: {  	s20 =	sshrl.u32 s0, $0x1;
	s2 =	simm.s32 $0x0;
	s8 =	sshll.u32 s1, $0x7  }
0xc: {  	s0 =	ssub.s32 s0, s20;
	s21 =	sadd.s32 s6, s8;
	[dreg:$0x4] =	wrdreg s8  }
0xd: {  	s7 =	sshll.u32 s1, $0xA;
	s22 =	sadd.s32 s3, s8;
	[dreg:$0x5] =	wrdreg s21  }
0xe: {  	s1 =	sadd.s32 s8, s23;
	s25 =	sadd.s32 s8, s24;
	[dreg:$0x6] =	wrdreg s22  }
0xf: {  	s0 =	smax.u32 s0, $0x1;
	s23 =	simm.s32 $0x1;
	[dreg:$0x9] =	wrdreg s1  }
0x10: {  	s24 =	simm.s32 $0x5;
	[dreg:$0xa] =	wrdreg s25;
	s1 =	sadd.s32 s8, s26  }
0x11: {  	[dreg:$0xd] =	wrdreg s0;
	s22 =	simm.s32 $0x14000;
	s25 =	simm.s32 $0x2  }
0x12: {  	s26 =	simm.s32 $0x6;
	s0 =	simm.s32 $0x8;
	[dreg:$0xc] =	wrdreg s1  }
.LBB2_1:
0x13: {  	[dreg:$0xe] =	wrdreg s2  }
0x14: {  	s1 =	rddreg [dreg:$0x5]  }
0x15: {  	[tilespmem:s5], [sflag:$0x9] =	stream.linear.gather [hbm4b:s1+s5], $0x4000, $0x38;
	[tilespmem:$0x18000] =	vst v63  }
0x16: {  	s17 =	rddreg [dreg:$0x6]  }
0x17: {  	[tilespmem:s18], [sflag:$0x1] =	stream.linear.gather [hbm4b:s17+s5], $0x4000, $0x38;
	[tilespmem:$0x18000] =	vst v63  }
0x18: {  	s20 =	rddreg [dreg:$0x9]  }
0x19: {  	[tilespmem:s19], [sflag:$0x2] =	stream.linear.gather [hbm4b:s20+s5], $0x4000, $0x38;
	[tilespmem:$0x18000] =	vst v63  }
0x1a: {  	s21 =	rddreg [dreg:$0xa];
	s16 =	simm.s32 $0x0  }
0x1b: {  	[tilespmem:s31], [sflag:$0x3] =	stream.linear.gather [hbm4b:s21+s5], $0x4000, $0x38;
	[tilespmem:$0x18000] =	vst v63  }
.LBB2_2:
0x1c: {  	s2 =	sshllo.u32 s16, $0x1  }
0x1d: {  	s3 =	rddreg [dreg:$0x4];
	s1 =	sshll.u32 s2, $0xB  }
0x1e: {  	s17 =	rddreg [dreg:$0x1];
	s3 =	sadd.s32 s3, s1  }
0x1f: {  	s6 =	simm.s32 $0x4000;
	s18 =	simm.s32 $0x9;
	s1 =	sadd.s32 s17, s3  }
0x20: {  	[tilespmem:s6], [sflag:$0xA] =	stream.linear.gather [hbm4b:s1+s5], $0x4000, $0x38;
	[tilespmem:$0x18000] =	vst v63  }
0x21: {  	_ =	swait.ge [sflag:s18], $0x4000  }
0x22: {  	p0 =	seq.s32 s16, $0x0;
	[sflag:s18] =	ssyncset.done $0x0  }
0x23: {  	s1 =	simm.s32 @!p0 $0x8;
	[sflag:s18] =	ssyncadd.s32 $0xFFFFC000  }
0x24: {  	s19 =	sshll.u32 s16, $0xC;
	s21 =	simm.s32 $0x0;
	_ =	swait.ge @!p0 [sflag:s1], $0x4000  }
0x25: {  	s9 =	simm.s32 $0x0;
	[sflag:s1] =	ssyncset.done @!p0 $0x0;
	s20 =	rddreg [dreg:$0xc]  }
0x26: {  	s6 =	simm.s32 $0x0;
	[sflag:s1] =	ssyncadd.s32 @!p0 $0xFFFFC000;
	s1 =	sadd.s32 s19, s20  }
0x27: {  	[tilespmem:s22], [sflag:$0x4] =	stream.linear.gather [hbm4b:s1+s6], $0x4000, $0x38;
	[tilespmem:$0x18000] =	vst v63  }
0x28: {  	s8 =	sand.u32 $0x1C00, s6;
	s1 =	sand.u32 $0x2000, s21;
	_ =	swait.ge [sflag:s23], $0x4000  }
0x29: {  	s31 =	sand.u32 $0x380, s9;
	s1 =	sor.u32 s8, s1;
	[sflag:s23] =	ssyncset.done $0x0  }
0x2a: {  	s9 =	sor.u32 s31, s1;
	[sflag:s23] =	ssyncadd.s32 $0xFFFFC000  }
0x2b: {  	v0 =	vld [tilespmem:s9+$0x70]  }
0x2c: {  	v5 =	vld [tilespmem:s9+$0x0]  }
0x2d: {  	v6 =	vld [tilespmem:s9+$0x10]  }
0x2e: {  	v4 =	vld [tilespmem:s9+$0x20]  }
0x2f: {  	v2 =	vld [tilespmem:s9+$0x30]  }
0x30: {  	v3 =	vld [tilespmem:s9+$0x40]  }
0x31: {  	s1 =	sor.u32 $0x8070, s9;
	v1 =	vld [tilespmem:s9+$0x60]  }
0x32: {  	[tilespmem:s1+$0x0] =	vst.add.f32.msk $0xffff, v0  }
0x33: {  	s20 =	simm.s32 $0x0;
	s10 =	sor.u32 $0x8000, s9;
	s12 =	sor.u32 $0x8010, s9;
	v0 =	vld [tilespmem:s9+$0x50]  }
0x34: {  	s15 =	sor.u32 $0x8020, s9;
	s8 =	sor.u32 $0x8030, s9;
	s14 =	sor.u32 $0x8040, s9;
	[tilespmem:s10+$0x0] =	vst.add.f32.msk $0xffff, v5  }
0x35: {  	s11 =	sor.u32 $0x8050, s9;
	s1 =	sshll.u32 s16, $0x1;
	s10 =	sor.u32 $0x8060, s9;
	[tilespmem:s12+$0x0] =	vst.add.f32.msk $0xffff, v6  }
.LBB2_3:
0x36: {  	s20 =	sadd.s32 $0x8, s20;
	[tilespmem:s15+$0x0] =	vst.add.f32.msk $0xffff, v4  }
0x37: {  	s6 =	sadd.s32 $0x400, s6;
	s9 =	sshll.u32 s20, $0x4;
	p0 =	slt.u32 s20, $0x3F8;
	[tilespmem:s8+$0x0] =	vst.add.f32.msk $0xffff, v2  }
0x38: {  	s12 =	sshll.u32 s20, $0x1;
	s8 =	sand.u32 $0x2000, s9;
	s9 =	sand.u32 $0x1C00, s6;
	[tilespmem:s14+$0x0] =	vst.add.f32.msk $0xffff, v3  }
0x39: {  	s8 =	sor.u32 s9, s8;
	s9 =	sand.u32 $0x380, s12;
	[tilespmem:s11+$0x0] =	vst.add.f32.msk $0xffff, v0  }
0x3a: {  	s9 =	sor.u32 s9, s8;
	[tilespmem:s10+$0x0] =	vst.add.f32.msk $0xffff, v1  }
0x3b: {  	s12 =	sor.u32 $0x8000, s9;
	s13 =	sor.u32 $0x8010, s9;
	s15 =	sor.u32 $0x8020, s9;
	v0 =	vld [tilespmem:s9+$0x70]  }
0x3c: {  	s8 =	sor.u32 $0x8030, s9;
	s14 =	sor.u32 $0x8040, s9;
	s11 =	sor.u32 $0x8050, s9;
	v5 =	vld [tilespmem:s9+$0x0]  }
0x3d: {  	s10 =	sor.u32 $0x8060, s9;
	v6 =	vld [tilespmem:s9+$0x10]  }
0x3e: {  	v4 =	vld [tilespmem:s9+$0x20]  }
0x3f: {  	s21 =	sor.u32 $0x8070, s9;
	v2 =	vld [tilespmem:s9+$0x30]  }
0x40: {  	[tilespmem:s21+$0x0] =	vst.add.f32.msk $0xffff, v0  }
.Ltmp0:
0x41: {  	v3 =	vld [tilespmem:s9+$0x40];
	(pc) =	sbr.rel @p0 .LBB2_3-.Ltmp0, $4  }
0x42: {  	v0 =	vld [tilespmem:s9+$0x50]  }
0x43: {  	v1 =	vld [tilespmem:s9+$0x60]  }
0x44: {  	[tilespmem:s12+$0x0] =	vst.add.f32.msk $0xffff, v5  }
0x45: {  	[tilespmem:s13+$0x0] =	vst.add.f32.msk $0xffff, v6  }
0x46: {  	[tilespmem:s15+$0x0] =	vst.add.f32.msk $0xffff, v4  }
0x47: {  	[tilespmem:s8+$0x0] =	vst.add.f32.msk $0xffff, v2;
	s6 =	sshll.u32 s16, $0xF  }
0x48: {  	[tilespmem:s14+$0x0] =	vst.add.f32.msk $0xffff, v3;
	s6 =	sadd.s32 s7, s6  }
0x49: {  	[tilespmem:s11+$0x0] =	vst.add.f32.msk $0xffff, v0;
	s20 =	sshrl.u32 s6, $0x3  }
0x4a: {  	s9 =	simm.s32 $0x8000;
	[tilespmem:s10+$0x0] =	vst.add.f32.msk $0xffff, v1;
	s6 =	simm.s32 $0x0;
	s13 =	sadd.s32 s4, s20  }
0x4b: {  	[hbm4b:s13+s6] =	stream.linear.scatter [tilespmem:s9], [sflag:$0x5], $0x4000, $0x38;
	[tilespmem:$0x18000] =	vst v63  }
0x4c: {  	_ =	swait.ge [sflag:s24], $0x4000  }
0x4d: {  	[sflag:s24] =	ssyncset.done $0x0  }
0x4e: {  	[sflag:s24] =	ssyncadd.s32 $0xFFFFC000  }
0x4f: {  	s14 =	rddreg [dreg:$0x0]  }
0x50: {  	s15 =	simm.s32 $0x0;
	s19 =	simm.s32 $0x0;
	s8 =	sadd.s32 s14, s3  }
0x51: {  	[tilespmem:s9], [sflag:$0x1] =	stream.linear.gather [hbm4b:s8+s6], $0x4000, $0x38;
	[tilespmem:$0x18000] =	vst v63  }
0x52: {  	s17 =	sand.u32 $0x1C00, s6;
	s8 =	sand.u32 $0x2000, s15;
	_ =	swait.ge [sflag:s25], $0x4000  }
0x53: {  	s21 =	sand.u32 $0x380, s19;
	s8 =	sor.u32 s17, s8;
	[sflag:s25] =	ssyncset.done $0x0  }
0x54: {  	s31 =	sor.u32 s21, s8;
	[sflag:s25] =	ssyncadd.s32 $0xFFFFC000  }
0x55: {  	v0 =	vld [tilespmem:s31+$0x70]  }
0x56: {  	v5 =	vld [tilespmem:s31+$0x0]  }
0x57: {  	v6 =	vld [tilespmem:s31+$0x10]  }
0x58: {  	v4 =	vld [tilespmem:s31+$0x20]  }
0x59: {  	v2 =	vld [tilespmem:s31+$0x30]  }
0x5a: {  	v3 =	vld [tilespmem:s31+$0x40]  }
0x5b: {  	s8 =	sor.u32 $0xC070, s31;
	v1 =	vld [tilespmem:s31+$0x60]  }
0x5c: {  	[tilespmem:s8+$0x0] =	vst.add.f32.msk $0xffff, v0  }
0x5d: {  	s18 =	simm.s32 $0x8000;
	s10 =	simm.s32 $0x0;
	s12 =	sor.u32 $0xC000, s31;
	v0 =	vld [tilespmem:s31+$0x50]  }
0x5e: {  	s13 =	sor.u32 $0xC010, s31;
	s9 =	sor.u32 $0xC030, s31;
	s15 =	sor.u32 $0xC040, s31;
	[tilespmem:s12+$0x0] =	vst.add.f32.msk $0xffff, v5  }
0x5f: {  	s14 =	sor.u32 $0xC050, s31;
	s11 =	sor.u32 $0xC060, s31;
	s8 =	sor.u32 $0xC020, s31;
	[tilespmem:s13+$0x0] =	vst.add.f32.msk $0xffff, v6  }
.LBB2_5:
0x60: {  	s10 =	sadd.s32 $0x8, s10;
	[tilespmem:s8+$0x0] =	vst.add.f32.msk $0xffff, v4  }
0x61: {  	s6 =	sadd.s32 $0x400, s6;
	s8 =	sshll.u32 s10, $0x4;
	p0 =	slt.u32 s10, $0x3F8;
	[tilespmem:s9+$0x0] =	vst.add.f32.msk $0xffff, v2  }
0x62: {  	s9 =	sand.u32 $0x1C00, s6;
	s12 =	sshll.u32 s10, $0x1;
	s8 =	sand.u32 $0x2000, s8;
	[tilespmem:s15+$0x0] =	vst.add.f32.msk $0xffff, v3  }
0x63: {  	s8 =	sor.u32 s9, s8;
	s9 =	sand.u32 $0x380, s12;
	[tilespmem:s14+$0x0] =	vst.add.f32.msk $0xffff, v0  }
0x64: {  	s12 =	sor.u32 s9, s8;
	[tilespmem:s11+$0x0] =	vst.add.f32.msk $0xffff, v1  }
0x65: {  	s13 =	sor.u32 $0xC000, s12;
	s21 =	sor.u32 $0xC010, s12;
	s8 =	sor.u32 $0xC020, s12;
	v0 =	vld [tilespmem:s12+$0x70]  }
0x66: {  	s9 =	sor.u32 $0xC030, s12;
	s15 =	sor.u32 $0xC040, s12;
	s14 =	sor.u32 $0xC050, s12;
	v5 =	vld [tilespmem:s12+$0x0]  }
0x67: {  	s11 =	sor.u32 $0xC060, s12;
	v6 =	vld [tilespmem:s12+$0x10]  }
0x68: {  	v4 =	vld [tilespmem:s12+$0x20]  }
0x69: {  	s17 =	sor.u32 $0xC070, s12;
	v2 =	vld [tilespmem:s12+$0x30]  }
0x6a: {  	[tilespmem:s17+$0x0] =	vst.add.f32.msk $0xffff, v0  }
.Ltmp1:
0x6b: {  	v3 =	vld [tilespmem:s12+$0x40];
	(pc) =	sbr.rel @p0 .LBB2_5-.Ltmp1, $4  }
0x6c: {  	v0 =	vld [tilespmem:s12+$0x50]  }
0x6d: {  	v1 =	vld [tilespmem:s12+$0x60]  }
0x6e: {  	[tilespmem:s13+$0x0] =	vst.add.f32.msk $0xffff, v5  }
0x6f: {  	[tilespmem:s21+$0x0] =	vst.add.f32.msk $0xffff, v6  }
0x70: {  	[tilespmem:s8+$0x0] =	vst.add.f32.msk $0xffff, v4  }
0x71: {  	[tilespmem:s9+$0x0] =	vst.add.f32.msk $0xffff, v2  }
0x72: {  	[tilespmem:s15+$0x0] =	vst.add.f32.msk $0xffff, v3  }
0x73: {  	s6 =	sor.u32 $0x100000, s20;
	[tilespmem:s14+$0x0] =	vst.add.f32.msk $0xffff, v0  }
0x74: {  	s13 =	simm.s32 $0xC000;
	s12 =	sadd.s32 s4, s6;
	s6 =	simm.s32 $0x0;
	[tilespmem:s11+$0x0] =	vst.add.f32.msk $0xffff, v1  }
0x75: {  	[hbm4b:s12+s6] =	stream.linear.scatter [tilespmem:s13], [sflag:$0x6], $0x4000, $0x38;
	[tilespmem:$0x18000] =	vst v63  }
0x76: {  	_ =	swait.ge [sflag:s26], $0x4000  }
0x77: {  	s15 =	simm.s32 $0x0;
	[sflag:s26] =	ssyncset.done $0x0;
	s14 =	rddreg [dreg:$0x7]  }
0x78: {  	s10 =	simm.s32 $0x0;
	[sflag:s26] =	ssyncadd.s32 $0xFFFFC000;
	s8 =	sadd.s32 s3, s14  }
0x79: {  	[tilespmem:s13], [sflag:$0x2] =	stream.linear.gather [hbm4b:s8+s6], $0x4000, $0x38;
	[tilespmem:$0x18000] =	vst v63  }
0x7a: {  	s17 =	sand.u32 $0x1C00, s6;
	s8 =	sand.u32 $0x2000, s15;
	_ =	swait.ge [sflag:s28], $0x4000  }
0x7b: {  	s21 =	sand.u32 $0x380, s10;
	s8 =	sor.u32 s17, s8;
	[sflag:s28] =	ssyncset.done $0x0  }
0x7c: {  	s31 =	sor.u32 s21, s8;
	[sflag:s28] =	ssyncadd.s32 $0xFFFFC000  }
0x7d: {  	v0 =	vld [tilespmem:s31+$0x70]  }
0x7e: {  	v5 =	vld [tilespmem:s31+$0x0]  }
0x7f: {  	v6 =	vld [tilespmem:s31+$0x10]  }
0x80: {  	v4 =	vld [tilespmem:s31+$0x20]  }
0x81: {  	v2 =	vld [tilespmem:s31+$0x30]  }
0x82: {  	v3 =	vld [tilespmem:s31+$0x40]  }
0x83: {  	s8 =	sor.u32 $0x10070, s31;
	v1 =	vld [tilespmem:s31+$0x60]  }
0x84: {  	[tilespmem:s8+$0x0] =	vst.add.f32.msk $0xffff, v0  }
0x85: {  	s19 =	simm.s32 $0xC000;
	s10 =	simm.s32 $0x0;
	s12 =	sor.u32 $0x10000, s31;
	v0 =	vld [tilespmem:s31+$0x50]  }
0x86: {  	s13 =	sor.u32 $0x10010, s31;
	s9 =	sor.u32 $0x10030, s31;
	s15 =	sor.u32 $0x10040, s31;
	[tilespmem:s12+$0x0] =	vst.add.f32.msk $0xffff, v5  }
0x87: {  	s14 =	sor.u32 $0x10050, s31;
	s11 =	sor.u32 $0x10060, s31;
	s8 =	sor.u32 $0x10020, s31;
	[tilespmem:s13+$0x0] =	vst.add.f32.msk $0xffff, v6  }
.LBB2_7:
0x88: {  	s10 =	sadd.s32 $0x8, s10;
	[tilespmem:s8+$0x0] =	vst.add.f32.msk $0xffff, v4  }
0x89: {  	s6 =	sadd.s32 $0x400, s6;
	s8 =	sshll.u32 s10, $0x4;
	p0 =	slt.u32 s10, $0x3F8;
	[tilespmem:s9+$0x0] =	vst.add.f32.msk $0xffff, v2  }
0x8a: {  	s9 =	sand.u32 $0x1C00, s6;
	s12 =	sshll.u32 s10, $0x1;
	s8 =	sand.u32 $0x2000, s8;
	[tilespmem:s15+$0x0] =	vst.add.f32.msk $0xffff, v3  }
0x8b: {  	s8 =	sor.u32 s9, s8;
	s9 =	sand.u32 $0x380, s12;
	[tilespmem:s14+$0x0] =	vst.add.f32.msk $0xffff, v0  }
0x8c: {  	s12 =	sor.u32 s9, s8;
	[tilespmem:s11+$0x0] =	vst.add.f32.msk $0xffff, v1  }
0x8d: {  	s13 =	sor.u32 $0x10000, s12;
	s17 =	sor.u32 $0x10010, s12;
	s8 =	sor.u32 $0x10020, s12;
	v0 =	vld [tilespmem:s12+$0x70]  }
0x8e: {  	s9 =	sor.u32 $0x10030, s12;
	s15 =	sor.u32 $0x10040, s12;
	s14 =	sor.u32 $0x10050, s12;
	v5 =	vld [tilespmem:s12+$0x0]  }
0x8f: {  	s11 =	sor.u32 $0x10060, s12;
	v6 =	vld [tilespmem:s12+$0x10]  }
0x90: {  	v4 =	vld [tilespmem:s12+$0x20]  }
0x91: {  	s21 =	sor.u32 $0x10070, s12;
	v2 =	vld [tilespmem:s12+$0x30]  }
0x92: {  	[tilespmem:s21+$0x0] =	vst.add.f32.msk $0xffff, v0  }
.Ltmp2:
0x93: {  	v3 =	vld [tilespmem:s12+$0x40];
	(pc) =	sbr.rel @p0 .LBB2_7-.Ltmp2, $4  }
0x94: {  	v0 =	vld [tilespmem:s12+$0x50]  }
0x95: {  	v1 =	vld [tilespmem:s12+$0x60]  }
0x96: {  	[tilespmem:s13+$0x0] =	vst.add.f32.msk $0xffff, v5  }
0x97: {  	[tilespmem:s17+$0x0] =	vst.add.f32.msk $0xffff, v6  }
0x98: {  	[tilespmem:s8+$0x0] =	vst.add.f32.msk $0xffff, v4  }
0x99: {  	[tilespmem:s9+$0x0] =	vst.add.f32.msk $0xffff, v2  }
0x9a: {  	[tilespmem:s15+$0x0] =	vst.add.f32.msk $0xffff, v3  }
0x9b: {  	s6 =	sor.u32 $0x200000, s20;
	[tilespmem:s14+$0x0] =	vst.add.f32.msk $0xffff, v0  }
0x9c: {  	s12 =	simm.s32 $0x10000;
	[tilespmem:s11+$0x0] =	vst.add.f32.msk $0xffff, v1;
	s11 =	sadd.s32 s4, s6;
	s6 =	simm.s32 $0x0  }
0x9d: {  	[hbm4b:s11+s6] =	stream.linear.scatter [tilespmem:s12], [sflag:$0x7], $0x4000, $0x38;
	[tilespmem:$0x18000] =	vst v63  }
0x9e: {  	_ =	swait.ge [sflag:s29], $0x4000  }
0x9f: {  	s10 =	simm.s32 $0x0;
	[sflag:s29] =	ssyncset.done $0x0;
	s13 =	rddreg [dreg:$0x8]  }
0xa0: {  	s14 =	simm.s32 $0x0;
	[sflag:s29] =	ssyncadd.s32 $0xFFFFC000;
	s8 =	sadd.s32 s3, s13  }
0xa1: {  	[tilespmem:s12], [sflag:$0x3] =	stream.linear.gather [hbm4b:s8+s6], $0x4000, $0x38;
	[tilespmem:$0x18000] =	vst v63  }
0xa2: {  	s15 =	sand.u32 $0x1C00, s6;
	s8 =	sand.u32 $0x2000, s14;
	_ =	swait.ge [sflag:s30], $0x4000  }
0xa3: {  	s17 =	sand.u32 $0x380, s10;
	s8 =	sor.u32 s15, s8;
	[sflag:s30] =	ssyncset.done $0x0  }
0xa4: {  	s21 =	sor.u32 s17, s8;
	[sflag:s30] =	ssyncadd.s32 $0xFFFFC000  }
0xa5: {  	v0 =	vld [tilespmem:s21+$0x70]  }
0xa6: {  	v5 =	vld [tilespmem:s21+$0x0]  }
0xa7: {  	v6 =	vld [tilespmem:s21+$0x10]  }
0xa8: {  	v4 =	vld [tilespmem:s21+$0x20]  }
0xa9: {  	v2 =	vld [tilespmem:s21+$0x30]  }
0xaa: {  	v3 =	vld [tilespmem:s21+$0x40]  }
0xab: {  	s8 =	sor.u32 $0x14070, s21;
	v1 =	vld [tilespmem:s21+$0x60]  }
0xac: {  	[tilespmem:s8+$0x0] =	vst.add.f32.msk $0xffff, v0  }
0xad: {  	s31 =	simm.s32 $0x10000;
	s10 =	simm.s32 $0x0;
	s12 =	sor.u32 $0x14000, s21;
	v0 =	vld [tilespmem:s21+$0x50]  }
0xae: {  	s13 =	sor.u32 $0x14010, s21;
	s9 =	sor.u32 $0x14030, s21;
	s15 =	sor.u32 $0x14040, s21;
	[tilespmem:s12+$0x0] =	vst.add.f32.msk $0xffff, v5  }
0xaf: {  	s14 =	sor.u32 $0x14050, s21;
	s11 =	sor.u32 $0x14060, s21;
	s8 =	sor.u32 $0x14020, s21;
	[tilespmem:s13+$0x0] =	vst.add.f32.msk $0xffff, v6  }
.LBB2_9:
0xb0: {  	s10 =	sadd.s32 $0x8, s10;
	[tilespmem:s8+$0x0] =	vst.add.f32.msk $0xffff, v4  }
0xb1: {  	s6 =	sadd.s32 $0x400, s6;
	s8 =	sshll.u32 s10, $0x4;
	p0 =	slt.u32 s10, $0x3F8;
	[tilespmem:s9+$0x0] =	vst.add.f32.msk $0xffff, v2  }
0xb2: {  	s9 =	sand.u32 $0x1C00, s6;
	s12 =	sshll.u32 s10, $0x1;
	s8 =	sand.u32 $0x2000, s8;
	[tilespmem:s15+$0x0] =	vst.add.f32.msk $0xffff, v3  }
0xb3: {  	s8 =	sor.u32 s9, s8;
	s9 =	sand.u32 $0x380, s12;
	[tilespmem:s14+$0x0] =	vst.add.f32.msk $0xffff, v0  }
0xb4: {  	s12 =	sor.u32 s9, s8;
	[tilespmem:s11+$0x0] =	vst.add.f32.msk $0xffff, v1  }
0xb5: {  	s13 =	sor.u32 $0x14000, s12;
	s17 =	sor.u32 $0x14010, s12;
	s8 =	sor.u32 $0x14020, s12;
	v0 =	vld [tilespmem:s12+$0x70]  }
0xb6: {  	s9 =	sor.u32 $0x14030, s12;
	s15 =	sor.u32 $0x14040, s12;
	s14 =	sor.u32 $0x14050, s12;
	v5 =	vld [tilespmem:s12+$0x0]  }
0xb7: {  	s11 =	sor.u32 $0x14060, s12;
	v6 =	vld [tilespmem:s12+$0x10]  }
0xb8: {  	v4 =	vld [tilespmem:s12+$0x20]  }
0xb9: {  	s21 =	sor.u32 $0x14070, s12;
	v2 =	vld [tilespmem:s12+$0x30]  }
0xba: {  	[tilespmem:s21+$0x0] =	vst.add.f32.msk $0xffff, v0  }
.Ltmp3:
0xbb: {  	v3 =	vld [tilespmem:s12+$0x40];
	(pc) =	sbr.rel @p0 .LBB2_9-.Ltmp3, $4  }
0xbc: {  	v0 =	vld [tilespmem:s12+$0x50]  }
0xbd: {  	v1 =	vld [tilespmem:s12+$0x60]  }
0xbe: {  	[tilespmem:s13+$0x0] =	vst.add.f32.msk $0xffff, v5  }
0xbf: {  	[tilespmem:s17+$0x0] =	vst.add.f32.msk $0xffff, v6  }
0xc0: {  	[tilespmem:s8+$0x0] =	vst.add.f32.msk $0xffff, v4  }
0xc1: {  	[tilespmem:s9+$0x0] =	vst.add.f32.msk $0xffff, v2  }
0xc2: {  	[tilespmem:s15+$0x0] =	vst.add.f32.msk $0xffff, v3  }
0xc3: {  	s6 =	sor.u32 $0x300000, s20;
	[tilespmem:s14+$0x0] =	vst.add.f32.msk $0xffff, v0  }
0xc4: {  	s1 =	sadd.s32 $0x2, s1;
	p0 =	seq.s32 s16, $0x7;
	s6 =	sadd.s32 s4, s6;
	[tilespmem:s11+$0x0] =	vst.add.f32.msk $0xffff, v1  }
0xc5: {  	[hbm4b:s6+s5] =	stream.linear.scatter [tilespmem:s22], [sflag:$0x8], $0x4000, $0x38;
	[tilespmem:$0x18000] =	vst v63  }
0xc6: {  	s1 =	sshll.u32 @!p0 s1, $0xB;
	s6 =	rddreg [dreg:$0x5]  }
0xc7: {  	s12 =	simm.s32 $0xA;
	s8 =	simm.s32 @!p0 $0x0;
	s6 =	sadd.s32 @!p0 s1, s6  }
0xc8: {  	[tilespmem:s8], [sflag:$0x9] =	stream.linear.gather @!p0 [hbm4b:s6+s8], $0x4000, $0x38;
	[tilespmem:$0x18000] =	vst v63  }
0xc9: {  	_ =	swait.ge [sflag:s12], $0x4000  }
0xca: {  	[sflag:s12] =	ssyncset.done $0x0  }
0xcb: {  	[sflag:s12] =	ssyncadd.s32 $0xFFFFC000  }
0xcc: {  	s17 =	simm.s32 $0x0;
	_ =	swait.ge [sflag:s0], $0x4000  }
0xcd: {  	s14 =	simm.s32 $0x0;
	[sflag:s0] =	ssyncset.done $0x0;
	s13 =	rddreg [dreg:$0xb]  }
0xce: {  	[sflag:s0] =	ssyncadd.s32 $0xFFFFC000;
	s6 =	sadd.s32 s3, s13;
	s3 =	simm.s32 $0x0  }
0xcf: {  	[tilespmem:s22], [sflag:$0x4] =	stream.linear.gather [hbm4b:s6+s3], $0x4000, $0x38;
	[tilespmem:$0x18000] =	vst v63  }
0xd0: {  	s6 =	sand.u32 $0x2000, s14;
	s15 =	sand.u32 $0x1C00, s3;
	_ =	swait.ge [sflag:s23], $0x4000  }
0xd1: {  	s20 =	sand.u32 $0x380, s17;
	s6 =	sor.u32 s15, s6;
	[sflag:s23] =	ssyncset.done $0x0  }
0xd2: {  	s10 =	sor.u32 s20, s6;
	[sflag:s23] =	ssyncadd.s32 $0xFFFFC000  }
0xd3: {  	v0 =	vld [tilespmem:s10+$0x4070]  }
0xd4: {  	v5 =	vld [tilespmem:s10+$0x4000]  }
0xd5: {  	v6 =	vld [tilespmem:s10+$0x4010]  }
0xd6: {  	v4 =	vld [tilespmem:s10+$0x4020]  }
0xd7: {  	v2 =	vld [tilespmem:s10+$0x4030]  }
0xd8: {  	v3 =	vld [tilespmem:s10+$0x4040]  }
0xd9: {  	s6 =	sor.u32 $0x8070, s10;
	v1 =	vld [tilespmem:s10+$0x4060]  }
0xda: {  	[tilespmem:s6+$0x0] =	vst.add.f32.msk $0xffff, v0  }
0xdb: {  	s21 =	sor.u32 $0x8000, s10;
	s12 =	sor.u32 $0x8010, s10;
	v0 =	vld [tilespmem:s10+$0x4050]  }
0xdc: {  	s8 =	sor.u32 $0x8020, s10;
	s9 =	sor.u32 $0x8030, s10;
	s14 =	sor.u32 $0x8040, s10;
	[tilespmem:s21+$0x0] =	vst.add.f32.msk $0xffff, v5  }
0xdd: {  	s11 =	sor.u32 $0x8050, s10;
	s6 =	simm.s32 $0x0;
	s10 =	sor.u32 $0x8060, s10;
	[tilespmem:s12+$0x0] =	vst.add.f32.msk $0xffff, v6  }
.LBB2_11:
0xde: {  	s6 =	sadd.s32 $0x8, s6;
	[tilespmem:s8+$0x0] =	vst.add.f32.msk $0xffff, v4  }
0xdf: {  	s3 =	sadd.s32 $0x400, s3;
	s8 =	sshll.u32 s6, $0x4;
	p1 =	slt.u32 s6, $0x3F8;
	[tilespmem:s9+$0x0] =	vst.add.f32.msk $0xffff, v2  }
0xe0: {  	s9 =	sand.u32 $0x1C00, s3;
	s12 =	sshll.u32 s6, $0x1;
	s8 =	sand.u32 $0x2000, s8;
	[tilespmem:s14+$0x0] =	vst.add.f32.msk $0xffff, v3  }
0xe1: {  	s8 =	sor.u32 s9, s8;
	s9 =	sand.u32 $0x380, s12;
	[tilespmem:s11+$0x0] =	vst.add.f32.msk $0xffff, v0  }
0xe2: {  	s12 =	sor.u32 s9, s8;
	[tilespmem:s10+$0x0] =	vst.add.f32.msk $0xffff, v1  }
0xe3: {  	s13 =	sor.u32 $0x8000, s12;
	s15 =	sor.u32 $0x8010, s12;
	s8 =	sor.u32 $0x8020, s12;
	v0 =	vld [tilespmem:s12+$0x4070]  }
0xe4: {  	s9 =	sor.u32 $0x8030, s12;
	s14 =	sor.u32 $0x8040, s12;
	s11 =	sor.u32 $0x8050, s12;
	v5 =	vld [tilespmem:s12+$0x4000]  }
0xe5: {  	s10 =	sor.u32 $0x8060, s12;
	v6 =	vld [tilespmem:s12+$0x4010]  }
0xe6: {  	v4 =	vld [tilespmem:s12+$0x4020]  }
0xe7: {  	s17 =	sor.u32 $0x8070, s12;
	v2 =	vld [tilespmem:s12+$0x4030]  }
0xe8: {  	[tilespmem:s17+$0x0] =	vst.add.f32.msk $0xffff, v0  }
.Ltmp4:
0xe9: {  	v3 =	vld [tilespmem:s12+$0x4040];
	(pc) =	sbr.rel @p1 .LBB2_11-.Ltmp4, $4  }
0xea: {  	v0 =	vld [tilespmem:s12+$0x4050]  }
0xeb: {  	v1 =	vld [tilespmem:s12+$0x4060]  }
0xec: {  	[tilespmem:s13+$0x0] =	vst.add.f32.msk $0xffff, v5  }
0xed: {  	[tilespmem:s15+$0x0] =	vst.add.f32.msk $0xffff, v6  }
0xee: {  	[tilespmem:s8+$0x0] =	vst.add.f32.msk $0xffff, v4  }
0xef: {  	[tilespmem:s9+$0x0] =	vst.add.f32.msk $0xffff, v2;
	s2 =	sshll.u32 s2, $0xE  }
0xf0: {  	[tilespmem:s14+$0x0] =	vst.add.f32.msk $0xffff, v3;
	s2 =	sadd.s32 s7, s2  }
0xf1: {  	[tilespmem:s11+$0x0] =	vst.add.f32.msk $0xffff, v0;
	s2 =	sshrl.u32 s2, $0x3  }
0xf2: {  	[tilespmem:s10+$0x0] =	vst.add.f32.msk $0xffff, v1;
	s3 =	sadd.s32 s4, s2  }
0xf3: {  	[hbm4b:s3+s5] =	stream.linear.scatter [tilespmem:s18], [sflag:$0x5], $0x4000, $0x38;
	[tilespmem:$0x18000] =	vst v63  }
0xf4: {  	s3 =	simm.s32 @!p0 $0x5  }
0xf5: {  	_ =	swait.ge @!p0 [sflag:s3], $0x4000  }
0xf6: {  	[sflag:s3] =	ssyncset.done @!p0 $0x0  }
0xf7: {  	[sflag:s3] =	ssyncadd.s32 @!p0 $0xFFFFC000;
	s3 =	rddreg [dreg:$0x6]  }
0xf8: {  	s6 =	simm.s32 @!p0 $0x0;
	s8 =	simm.s32 @!p0 $0x8000;
	s3 =	sadd.s32 @!p0 s1, s3  }
0xf9: {  	[tilespmem:s8], [sflag:$0x1] =	stream.linear.gather @!p0 [hbm4b:s3+s6], $0x4000, $0x38;
	[tilespmem:$0x18000] =	vst v63  }
0xfa: {  	s13 =	simm.s32 $0x0;
	s15 =	simm.s32 $0x0;
	s3 =	simm.s32 $0x0  }
0xfb: {  	s6 =	sand.u32 $0x2000, s13;
	_ =	swait.ge [sflag:s25], $0x4000;
	s14 =	sand.u32 $0x1C00, s3  }
0xfc: {  	s17 =	sand.u32 $0x380, s15;
	[sflag:s25] =	ssyncset.done $0x0;
	s6 =	sor.u32 s14, s6  }
0xfd: {  	[sflag:s25] =	ssyncadd.s32 $0xFFFFC000;
	s20 =	sor.u32 s17, s6  }
0xfe: {  	v0 =	vld [tilespmem:s20+$0x4070]  }
0xff: {  	v5 =	vld [tilespmem:s20+$0x4000]  }
0x100: {  	v6 =	vld [tilespmem:s20+$0x4010]  }
0x101: {  	v4 =	vld [tilespmem:s20+$0x4020]  }
0x102: {  	v2 =	vld [tilespmem:s20+$0x4030]  }
0x103: {  	v3 =	vld [tilespmem:s20+$0x4040]  }
0x104: {  	s6 =	sor.u32 $0xC070, s20;
	v1 =	vld [tilespmem:s20+$0x4060]  }
0x105: {  	[tilespmem:s6+$0x0] =	vst.add.f32.msk $0xffff, v0  }
0x106: {  	s21 =	sor.u32 $0xC000, s20;
	s12 =	sor.u32 $0xC010, s20;
	v0 =	vld [tilespmem:s20+$0x4050]  }
0x107: {  	s8 =	sor.u32 $0xC020, s20;
	s9 =	sor.u32 $0xC030, s20;
	s14 =	sor.u32 $0xC040, s20;
	[tilespmem:s21+$0x0] =	vst.add.f32.msk $0xffff, v5  }
0x108: {  	s11 =	sor.u32 $0xC050, s20;
	s10 =	sor.u32 $0xC060, s20;
	s6 =	simm.s32 $0x0;
	[tilespmem:s12+$0x0] =	vst.add.f32.msk $0xffff, v6  }
.LBB2_13:
0x109: {  	s6 =	sadd.s32 $0x8, s6;
	[tilespmem:s8+$0x0] =	vst.add.f32.msk $0xffff, v4  }
0x10a: {  	s3 =	sadd.s32 $0x400, s3;
	s8 =	sshll.u32 s6, $0x4;
	p1 =	slt.u32 s6, $0x3F8;
	[tilespmem:s9+$0x0] =	vst.add.f32.msk $0xffff, v2  }
0x10b: {  	s9 =	sand.u32 $0x1C00, s3;
	s12 =	sshll.u32 s6, $0x1;
	s8 =	sand.u32 $0x2000, s8;
	[tilespmem:s14+$0x0] =	vst.add.f32.msk $0xffff, v3  }
0x10c: {  	s8 =	sor.u32 s9, s8;
	s9 =	sand.u32 $0x380, s12;
	[tilespmem:s11+$0x0] =	vst.add.f32.msk $0xffff, v0  }
0x10d: {  	s12 =	sor.u32 s9, s8;
	[tilespmem:s10+$0x0] =	vst.add.f32.msk $0xffff, v1  }
0x10e: {  	s13 =	sor.u32 $0xC000, s12;
	s15 =	sor.u32 $0xC010, s12;
	s8 =	sor.u32 $0xC020, s12;
	v0 =	vld [tilespmem:s12+$0x4070]  }
0x10f: {  	s9 =	sor.u32 $0xC030, s12;
	s14 =	sor.u32 $0xC040, s12;
	s11 =	sor.u32 $0xC050, s12;
	v5 =	vld [tilespmem:s12+$0x4000]  }
0x110: {  	s10 =	sor.u32 $0xC060, s12;
	v6 =	vld [tilespmem:s12+$0x4010]  }
0x111: {  	v4 =	vld [tilespmem:s12+$0x4020]  }
0x112: {  	s17 =	sor.u32 $0xC070, s12;
	v2 =	vld [tilespmem:s12+$0x4030]  }
0x113: {  	[tilespmem:s17+$0x0] =	vst.add.f32.msk $0xffff, v0  }
.Ltmp5:
0x114: {  	v3 =	vld [tilespmem:s12+$0x4040];
	(pc) =	sbr.rel @p1 .LBB2_13-.Ltmp5, $4  }
0x115: {  	v0 =	vld [tilespmem:s12+$0x4050]  }
0x116: {  	v1 =	vld [tilespmem:s12+$0x4060]  }
0x117: {  	[tilespmem:s13+$0x0] =	vst.add.f32.msk $0xffff, v5  }
0x118: {  	[tilespmem:s15+$0x0] =	vst.add.f32.msk $0xffff, v6  }
0x119: {  	[tilespmem:s8+$0x0] =	vst.add.f32.msk $0xffff, v4  }
0x11a: {  	[tilespmem:s9+$0x0] =	vst.add.f32.msk $0xffff, v2  }
0x11b: {  	[tilespmem:s14+$0x0] =	vst.add.f32.msk $0xffff, v3  }
0x11c: {  	s3 =	sor.u32 $0x100000, s2;
	[tilespmem:s11+$0x0] =	vst.add.f32.msk $0xffff, v0  }
0x11d: {  	s3 =	sadd.s32 s4, s3;
	[tilespmem:s10+$0x0] =	vst.add.f32.msk $0xffff, v1  }
0x11e: {  	[hbm4b:s3+s5] =	stream.linear.scatter [tilespmem:s19], [sflag:$0x6], $0x4000, $0x38;
	[tilespmem:$0x18000] =	vst v63  }
0x11f: {  	s3 =	simm.s32 @!p0 $0x6  }
0x120: {  	_ =	swait.ge @!p0 [sflag:s3], $0x4000  }
0x121: {  	[sflag:s3] =	ssyncset.done @!p0 $0x0  }
0x122: {  	[sflag:s3] =	ssyncadd.s32 @!p0 $0xFFFFC000;
	s3 =	rddreg [dreg:$0x9]  }
0x123: {  	s6 =	simm.s32 @!p0 $0x0;
	s8 =	simm.s32 @!p0 $0xC000;
	s3 =	sadd.s32 @!p0 s1, s3  }
0x124: {  	[tilespmem:s8], [sflag:$0x2] =	stream.linear.gather @!p0 [hbm4b:s3+s6], $0x4000, $0x38;
	[tilespmem:$0x18000] =	vst v63  }
0x125: {  	s13 =	simm.s32 $0x0;
	s15 =	simm.s32 $0x0;
	s3 =	simm.s32 $0x0  }
0x126: {  	s6 =	sand.u32 $0x2000, s13;
	_ =	swait.ge [sflag:s28], $0x4000;
	s14 =	sand.u32 $0x1C00, s3  }
0x127: {  	s17 =	sand.u32 $0x380, s15;
	[sflag:s28] =	ssyncset.done $0x0;
	s6 =	sor.u32 s14, s6  }
0x128: {  	[sflag:s28] =	ssyncadd.s32 $0xFFFFC000;
	s20 =	sor.u32 s17, s6  }
0x129: {  	v0 =	vld [tilespmem:s20+$0x4070]  }
0x12a: {  	v5 =	vld [tilespmem:s20+$0x4000]  }
0x12b: {  	v6 =	vld [tilespmem:s20+$0x4010]  }
0x12c: {  	v4 =	vld [tilespmem:s20+$0x4020]  }
0x12d: {  	v2 =	vld [tilespmem:s20+$0x4030]  }
0x12e: {  	v3 =	vld [tilespmem:s20+$0x4040]  }
0x12f: {  	s6 =	sor.u32 $0x10070, s20;
	v1 =	vld [tilespmem:s20+$0x4060]  }
0x130: {  	[tilespmem:s6+$0x0] =	vst.add.f32.msk $0xffff, v0  }
0x131: {  	s21 =	sor.u32 $0x10000, s20;
	s12 =	sor.u32 $0x10010, s20;
	v0 =	vld [tilespmem:s20+$0x4050]  }
0x132: {  	s8 =	sor.u32 $0x10020, s20;
	s9 =	sor.u32 $0x10030, s20;
	s14 =	sor.u32 $0x10040, s20;
	[tilespmem:s21+$0x0] =	vst.add.f32.msk $0xffff, v5  }
0x133: {  	s11 =	sor.u32 $0x10050, s20;
	s10 =	sor.u32 $0x10060, s20;
	s6 =	simm.s32 $0x0;
	[tilespmem:s12+$0x0] =	vst.add.f32.msk $0xffff, v6  }
.LBB2_15:
0x134: {  	s6 =	sadd.s32 $0x8, s6;
	[tilespmem:s8+$0x0] =	vst.add.f32.msk $0xffff, v4  }
0x135: {  	s3 =	sadd.s32 $0x400, s3;
	s8 =	sshll.u32 s6, $0x4;
	p1 =	slt.u32 s6, $0x3F8;
	[tilespmem:s9+$0x0] =	vst.add.f32.msk $0xffff, v2  }
0x136: {  	s9 =	sand.u32 $0x1C00, s3;
	s12 =	sshll.u32 s6, $0x1;
	s8 =	sand.u32 $0x2000, s8;
	[tilespmem:s14+$0x0] =	vst.add.f32.msk $0xffff, v3  }
0x137: {  	s8 =	sor.u32 s9, s8;
	s9 =	sand.u32 $0x380, s12;
	[tilespmem:s11+$0x0] =	vst.add.f32.msk $0xffff, v0  }
0x138: {  	s12 =	sor.u32 s9, s8;
	[tilespmem:s10+$0x0] =	vst.add.f32.msk $0xffff, v1  }
0x139: {  	s13 =	sor.u32 $0x10000, s12;
	s15 =	sor.u32 $0x10010, s12;
	s8 =	sor.u32 $0x10020, s12;
	v0 =	vld [tilespmem:s12+$0x4070]  }
0x13a: {  	s9 =	sor.u32 $0x10030, s12;
	s14 =	sor.u32 $0x10040, s12;
	s11 =	sor.u32 $0x10050, s12;
	v5 =	vld [tilespmem:s12+$0x4000]  }
0x13b: {  	s10 =	sor.u32 $0x10060, s12;
	v6 =	vld [tilespmem:s12+$0x4010]  }
0x13c: {  	v4 =	vld [tilespmem:s12+$0x4020]  }
0x13d: {  	s17 =	sor.u32 $0x10070, s12;
	v2 =	vld [tilespmem:s12+$0x4030]  }
0x13e: {  	[tilespmem:s17+$0x0] =	vst.add.f32.msk $0xffff, v0  }
.Ltmp6:
0x13f: {  	v3 =	vld [tilespmem:s12+$0x4040];
	(pc) =	sbr.rel @p1 .LBB2_15-.Ltmp6, $4  }
0x140: {  	v0 =	vld [tilespmem:s12+$0x4050]  }
0x141: {  	v1 =	vld [tilespmem:s12+$0x4060]  }
0x142: {  	[tilespmem:s13+$0x0] =	vst.add.f32.msk $0xffff, v5  }
0x143: {  	[tilespmem:s15+$0x0] =	vst.add.f32.msk $0xffff, v6  }
0x144: {  	[tilespmem:s8+$0x0] =	vst.add.f32.msk $0xffff, v4  }
0x145: {  	[tilespmem:s9+$0x0] =	vst.add.f32.msk $0xffff, v2  }
0x146: {  	[tilespmem:s14+$0x0] =	vst.add.f32.msk $0xffff, v3  }
0x147: {  	s3 =	sor.u32 $0x200000, s2;
	[tilespmem:s11+$0x0] =	vst.add.f32.msk $0xffff, v0  }
0x148: {  	s3 =	sadd.s32 s4, s3;
	[tilespmem:s10+$0x0] =	vst.add.f32.msk $0xffff, v1  }
0x149: {  	[hbm4b:s3+s5] =	stream.linear.scatter [tilespmem:s31], [sflag:$0x7], $0x4000, $0x38;
	[tilespmem:$0x18000] =	vst v63  }
0x14a: {  	s3 =	simm.s32 @!p0 $0x7  }
0x14b: {  	_ =	swait.ge @!p0 [sflag:s3], $0x4000  }
0x14c: {  	[sflag:s3] =	ssyncset.done @!p0 $0x0  }
0x14d: {  	[sflag:s3] =	ssyncadd.s32 @!p0 $0xFFFFC000;
	s3 =	rddreg [dreg:$0xa]  }
0x14e: {  	s6 =	simm.s32 @!p0 $0x10000;
	s1 =	sadd.s32 @!p0 s1, s3;
	s3 =	simm.s32 @!p0 $0x0  }
0x14f: {  	[tilespmem:s6], [sflag:$0x3] =	stream.linear.gather @!p0 [hbm4b:s1+s3], $0x4000, $0x38;
	[tilespmem:$0x18000] =	vst v63  }
0x150: {  	s14 =	simm.s32 $0x0;
	s17 =	simm.s32 $0x0;
	s1 =	simm.s32 $0x0  }
0x151: {  	s3 =	sand.u32 $0x2000, s14;
	_ =	swait.ge [sflag:s30], $0x4000;
	s15 =	sand.u32 $0x1C00, s1  }
0x152: {  	s20 =	sand.u32 $0x380, s17;
	[sflag:s30] =	ssyncset.done $0x0;
	s3 =	sor.u32 s15, s3  }
0x153: {  	[sflag:s30] =	ssyncadd.s32 $0xFFFFC000;
	s6 =	sor.u32 s20, s3  }
0x154: {  	v0 =	vld [tilespmem:s6+$0x4070]  }
0x155: {  	v5 =	vld [tilespmem:s6+$0x4000]  }
0x156: {  	v6 =	vld [tilespmem:s6+$0x4010]  }
0x157: {  	v4 =	vld [tilespmem:s6+$0x4020]  }
0x158: {  	v2 =	vld [tilespmem:s6+$0x4030]  }
0x159: {  	v3 =	vld [tilespmem:s6+$0x4040]  }
0x15a: {  	s3 =	sor.u32 $0x14070, s6;
	v1 =	vld [tilespmem:s6+$0x4060]  }
0x15b: {  	[tilespmem:s3+$0x0] =	vst.add.f32.msk $0xffff, v0  }
0x15c: {  	s21 =	sor.u32 $0x14000, s6;
	s12 =	sor.u32 $0x14010, s6;
	v0 =	vld [tilespmem:s6+$0x4050]  }
0x15d: {  	s8 =	sor.u32 $0x14020, s6;
	s9 =	sor.u32 $0x14030, s6;
	s11 =	sor.u32 $0x14040, s6;
	[tilespmem:s21+$0x0] =	vst.add.f32.msk $0xffff, v5  }
0x15e: {  	s10 =	sor.u32 $0x14050, s6;
	s3 =	simm.s32 $0x0;
	s6 =	sor.u32 $0x14060, s6;
	[tilespmem:s12+$0x0] =	vst.add.f32.msk $0xffff, v6  }
.LBB2_17:
0x15f: {  	s3 =	sadd.s32 $0x8, s3;
	[tilespmem:s8+$0x0] =	vst.add.f32.msk $0xffff, v4  }
0x160: {  	s1 =	sadd.s32 $0x400, s1;
	s8 =	sshll.u32 s3, $0x4;
	p0 =	slt.u32 s3, $0x3F8;
	[tilespmem:s9+$0x0] =	vst.add.f32.msk $0xffff, v2  }
0x161: {  	s9 =	sand.u32 $0x1C00, s1;
	s12 =	sshll.u32 s3, $0x1;
	s8 =	sand.u32 $0x2000, s8;
	[tilespmem:s11+$0x0] =	vst.add.f32.msk $0xffff, v3  }
0x162: {  	s8 =	sor.u32 s9, s8;
	s9 =	sand.u32 $0x380, s12;
	[tilespmem:s10+$0x0] =	vst.add.f32.msk $0xffff, v0  }
0x163: {  	s12 =	sor.u32 s9, s8;
	[tilespmem:s6+$0x0] =	vst.add.f32.msk $0xffff, v1  }
0x164: {  	s13 =	sor.u32 $0x14000, s12;
	s14 =	sor.u32 $0x14010, s12;
	s8 =	sor.u32 $0x14020, s12;
	v0 =	vld [tilespmem:s12+$0x4070]  }
0x165: {  	s9 =	sor.u32 $0x14030, s12;
	s11 =	sor.u32 $0x14040, s12;
	s10 =	sor.u32 $0x14050, s12;
	v5 =	vld [tilespmem:s12+$0x4000]  }
0x166: {  	s6 =	sor.u32 $0x14060, s12;
	v6 =	vld [tilespmem:s12+$0x4010]  }
0x167: {  	v4 =	vld [tilespmem:s12+$0x4020]  }
0x168: {  	s15 =	sor.u32 $0x14070, s12;
	v2 =	vld [tilespmem:s12+$0x4030]  }
0x169: {  	[tilespmem:s15+$0x0] =	vst.add.f32.msk $0xffff, v0  }
.Ltmp7:
0x16a: {  	v3 =	vld [tilespmem:s12+$0x4040];
	(pc) =	sbr.rel @p0 .LBB2_17-.Ltmp7, $4  }
0x16b: {  	v0 =	vld [tilespmem:s12+$0x4050]  }
0x16c: {  	v1 =	vld [tilespmem:s12+$0x4060]  }
0x16d: {  	[tilespmem:s13+$0x0] =	vst.add.f32.msk $0xffff, v5  }
0x16e: {  	[tilespmem:s14+$0x0] =	vst.add.f32.msk $0xffff, v6  }
0x16f: {  	s16 =	sadd.s32 $0x1, s16  }
0x170: {  	[tilespmem:s8+$0x0] =	vst.add.f32.msk $0xffff, v4;
	p0 =	sne.s32 s16, $0x8  }
.Ltmp8:
0x171: {  	[tilespmem:s9+$0x0] =	vst.add.f32.msk $0xffff, v2;
	(pc) =	sbr.rel @p0 .LBB2_2-.Ltmp8, $4  }
0x172: {  	[tilespmem:s11+$0x0] =	vst.add.f32.msk $0xffff, v3  }
0x173: {  	s1 =	sor.u32 $0x300000, s2;
	[tilespmem:s10+$0x0] =	vst.add.f32.msk $0xffff, v0  }
0x174: {  	s1 =	sadd.s32 s4, s1;
	[tilespmem:s6+$0x0] =	vst.add.f32.msk $0xffff, v1  }
0x175: {  	[hbm4b:s1+s5] =	stream.linear.scatter [tilespmem:s22], [sflag:$0x8], $0x4000, $0x38;
	[tilespmem:$0x18000] =	vst v63  }
0x176: {  	_ =	swait.ge [sflag:s24], $0x4000  }
0x177: {  	[sflag:s24] =	ssyncset.done $0x0  }
0x178: {  	[sflag:s24] =	ssyncadd.s32 $0xFFFFC000  }
0x179: {  	_ =	swait.ge [sflag:s26], $0x4000  }
0x17a: {  	[sflag:s26] =	ssyncset.done $0x0  }
0x17b: {  	[sflag:s26] =	ssyncadd.s32 $0xFFFFC000  }
0x17c: {  	_ =	swait.ge [sflag:s29], $0x4000  }
0x17d: {  	[sflag:s29] =	ssyncset.done $0x0  }
0x17e: {  	[sflag:s29] =	ssyncadd.s32 $0xFFFFC000  }
0x17f: {  	_ =	swait.ge [sflag:s0], $0x4000  }
0x180: {  	s2 =	rddreg [dreg:$0xe]  }
0x181: {  	s1 =	rddreg [dreg:$0xd];
	s2 =	sadd.s32 $0x1, s2  }
0x182: {  	p0 =	sne.s32 s2, s1  }
.Ltmp9:
0x183: {  	_ = 	snop;
	(pc) =	sbr.rel @p0 .LBB2_1-.Ltmp9, $3  }
0x184: {  	_ =	sdelay $0x1  }
0x185: {  	[sflag:s0] =	ssyncset.done $0x0  }
0x186: {  	[sflag:s0] =	ssyncadd.s32 $0xFFFFC000  }
0x187: {  	_ =	sfence.sel $0x180000  }
0x188: {  	[bflag:$0x0] =	sbarrier.arrive $0xFFFF  }
0x189: {  	_ =	strace $0x90000047  }
0x18a: {  	s0 =	stileid.u32;
	[bflag:$0x2] =	sbarrier.arrive $0xFFFF  }
0x18b: {  	p0 =	sne.s32 s0, $0x0;
	s0 =	rddreg [dreg:$0x3]  }
0x18c: {  	s0 =	sadd.s32 @!p0 $0x100000, s0  }
0x18d: {  	[sflag:s0] =	ssyncadd.tile.s32 @!p0 $0x1;
	_ =	shalt  }
.Lfunc_end2:
_tile_overlayer_lowered:
.L_overlay_start_2:
0x18e: {  	(tag) =	ssettag $0x2  }
0x18f: {  	s0 =	rddreg [dreg:$0x0];
	s2 =	stileid.u32  }
0x190: {  	s1 =	rddreg [dreg:$0x1];
	p0 =	sne.s32 s2, $0x0  }
0x191: {  	s3 =	rddreg [dreg:$0x2];
	[bflag:$0x3] =	sbarrier.arrive $0xFFFF;
	s2 =	simm.s32 @!p0 $0x1C0B  }
0x192: {  	[timem:s3], [sflag:s2] =	dma.local @!p0 [hbm:s0], s1  }
0x193: {  	s0 =	simm.s32 @!p0 $0xB  }
0x194: {  	_ =	swait.ge @!p0 [sflag:s0], s1  }
0x195: {  	s1 =	ssub.s32 @!p0 $0x0, s1;
	[sflag:s0] =	ssyncset.done @!p0 $0x0  }
0x196: {  	[sflag:s0] =	ssyncadd.s32 @!p0 s1  }
0x197: {  	[bflag:$0x3] =	sbarrier.arrive $0xFFFF  }
0x198: {  	_ =	shalt  }

</sc_bundles>
